<compile_context>
chip_gen: v7x
topology: tpu7x:2x2x1
jax: 0.10.2.dev20260603
libtpu: 0.0.44.dev20260713+nightly
codegen_flags: <defaults>
</compile_context>

<pallas_src>
import functools

import jax
import jax.numpy as jnp
from jax import lax
from jax.experimental import pallas as pl
from jax.experimental.pallas import tpu as pltpu
from jax.experimental.pallas import tpu_sc as plsc

_N = 68
_E = 544
_H = 128
_C = 8
_LANES = 16
_NSUB = 4
_NVEC = _E // _LANES


def _sc_build_adj(edge_index):
    mesh = plsc.VectorSubcoreMesh(
        core_axis_name="c", subcore_axis_name="s",
        num_cores=1, num_subcores=_NSUB)

    @functools.partial(
        pl.kernel,
        out_type=jax.ShapeDtypeStruct((_NSUB, _N, _N), jnp.float32),
        mesh=mesh,
        scratch_types=[
            pltpu.VMEM((2, _E), jnp.int32),
            pltpu.VMEM((_N, _N), jnp.float32),
            pltpu.SemaphoreType.DMA,
        ],
        compiler_params=pltpu.CompilerParams(
            needs_layout_passes=False,
            disable_bounds_checks=True,
            disable_semaphore_checks=True,
            skip_device_barrier=True,
        ),
    )
    def build(ei_hbm, out_hbm, ei_v, acc_v, sem):
        sid = lax.axis_index("s")

        @pl.when(sid < _NSUB)
        def _():
            lo = sid * _NVEC // _NSUB
            hi = (sid + 1) * _NVEC // _NSUB
            cp = pltpu.async_copy(ei_hbm, ei_v, sem)

            zeros = jnp.zeros((_LANES,), jnp.float32)

            def zero_body(i, carry):
                for r in range(4):
                    acc_v[i * 4 + r, pl.ds(0, _LANES)] = zeros
                    acc_v[i * 4 + r, pl.ds(16, _LANES)] = zeros
                    acc_v[i * 4 + r, pl.ds(32, _LANES)] = zeros
                    acc_v[i * 4 + r, pl.ds(48, _LANES)] = zeros
                    acc_v[i * 4 + r, pl.ds(_N - _LANES, _LANES)] = zeros
                return carry

            lax.fori_loop(0, _N // 4, zero_body, 0)

            cp.wait()

            ones = jnp.ones((_LANES,), jnp.float32)
            lane = lax.iota(jnp.int32, _LANES)

            def edge_body(j, carry):
                s_ids = ei_v[0, pl.ds((lo + j) * _LANES, _LANES)]
                d_ids = ei_v[1, pl.ds((lo + j) * _LANES, _LANES)]
                for l in range(_LANES):
                    plsc.addupdate_scatter(
                        acc_v, [d_ids, s_ids], ones, mask=lane == l)
                return carry

            lax.fori_loop(0, hi - lo, edge_body, 0)
            pltpu.sync_copy(acc_v, out_hbm.at[sid])

    return build(edge_index)


def _tc_body(ap_ref, x_ref, s_ref, w4_ref, sm_ref, out_ref):

    def dot(p, q):
        return lax.dot_general(p, q, (((1,), (0,)), ((), ())),
                               preferred_element_type=jnp.float32)

    a = jnp.sum(ap_ref[...], axis=0)
    x = x_ref[...]

    c0 = x[:, 0:1]
    c1 = x[:, 1:2]
    xr = c0 * sm_ref[0][None, :] + c1 * sm_ref[1][None, :]
    xo = c0 * sm_ref[2][None, :] + c1 * sm_ref[3][None, :]
    h = jnp.maximum(dot(a, xr) + xo + sm_ref[4][None, :], 0.0)

    for wr, wo, b in ((w4_ref[0], w4_ref[1], sm_ref[5]),
                      (w4_ref[2], w4_ref[3], sm_ref[6])):
        hr = lax.dot_general(h, wr, (((1,), (1,)), ((), ())),
                             preferred_element_type=jnp.float32)
        ho = lax.dot_general(h, wo, (((1,), (1,)), ((), ())),
                             preferred_element_type=jnp.float32)
        h = jnp.maximum(dot(a, hr) + ho + b[None, :], 0.0)

    st = s_ref[0]
    m = jnp.max(st, axis=1, keepdims=True)
    e = jnp.exp(st - m)
    ss = e / jnp.sum(e, axis=1, keepdims=True)
    out_ref[...] = lax.dot_general(ss, h, (((0,), (0,)), ((), ())),
                                   preferred_element_type=jnp.float32)


def kernel(x, edge_index, adj, s,
           W_rel1, b_rel1, W_root1, b_root1,
           W_rel2, b_rel2, W_root2, b_root2,
           W_rel3, b_rel3, W_root3, b_root3):
    del adj
    ap = _sc_build_adj(edge_index.astype(jnp.int32))

    w4 = jnp.stack([W_rel2, W_root2, W_rel3, W_root3])
    sm = jnp.concatenate([W_rel1.T, W_root1.T,
                          (b_rel1 + b_root1)[None, :],
                          (b_rel2 + b_root2)[None, :],
                          (b_rel3 + b_root3)[None, :]], axis=0)

    out = pl.pallas_call(
        _tc_body,
        out_shape=jax.ShapeDtypeStruct((_C, _H), jnp.float32),
    )(ap, x, s, w4, sm)

    return out.reshape(1, _C, _H)

# --- scband reference (transcript-rebuilt; emitter-appended) ---
"""Pipeline reference for scband-lmrk-net-8443905704054 (READ-ONLY COPY).

The authoritative reference and input builder live on the scoring server;
editing this copy changes nothing except your own understanding.
"""

import jax, jax.numpy as jnp
import numpy as np

N, F, H, C = 68, 2, 128, 8
E = 544

def _lin(k, fin, fout):
    bound = 1.0 / np.sqrt(fin)
    return jax.random.uniform(k, (fout, fin), minval=-bound, maxval=bound, dtype=jnp.float32)

def setup_inputs(seed: int = 0):
    key = jax.random.key(seed)
    ks = jax.random.split(key, 20)
    inp = {}
    inp['x'] = jax.random.normal(ks[0], (N, F), dtype=jnp.float32)
    inp['edge_index'] = jax.random.randint(ks[1], (2, E), 0, N)
    inp['adj'] = jax.random.uniform(ks[2], (1, N, N), dtype=jnp.float32)
    inp['s'] = jax.random.normal(ks[3], (1, N, C), dtype=jnp.float32)
    # GraphConv params: out = lin_rel(sum_{j in N(i)} x_j) + lin_root(x_i)
    inp['W_rel1'] = _lin(ks[4], F, H); inp['b_rel1'] = jnp.zeros((H,), jnp.float32)
    inp['W_root1'] = _lin(ks[5], F, H); inp['b_root1'] = jnp.zeros((H,), jnp.float32)
    inp['W_rel2'] = _lin(ks[6], H, H); inp['b_rel2'] = jnp.zeros((H,), jnp.float32)
    inp['W_root2'] = _lin(ks[7], H, H); inp['b_root2'] = jnp.zeros((H,), jnp.float32)
    inp['W_rel3'] = _lin(ks[8], H, H); inp['b_rel3'] = jnp.zeros((H,), jnp.float32)
    inp['W_root3'] = _lin(ks[9], H, H); inp['b_root3'] = jnp.zeros((H,), jnp.float32)
    return inp

def _gconv(x, ei, Wr, br, Wo, bo):
    # PyG GraphConv with aggr='add': messages flow src (ei[0]) -> dst (ei[1])
    agg = jax.ops.segment_sum(x[ei[0]], ei[1], num_segments=x.shape[0])
    return agg @ Wr.T + br + x @ Wo.T + bo

def reference(x, edge_index, adj, s,
              W_rel1, b_rel1, W_root1, b_root1,
              W_rel2, b_rel2, W_root2, b_root2,
              W_rel3, b_rel3, W_root3, b_root3):
    h = jax.nn.relu(_gconv(x, edge_index, W_rel1, b_rel1, W_root1, b_root1))
    h = jax.nn.relu(_gconv(h, edge_index, W_rel2, b_rel2, W_root2, b_root2))
    h = jax.nn.relu(_gconv(h, edge_index, W_rel3, b_rel3, W_root3, b_root3))
    h = h.reshape(1, N, H).astype(jnp.float32)
    # dense_diff_pool: s <- softmax(s, -1); out = s^T x (forward returns only pooled feature)
    ss = jax.nn.softmax(s, axis=-1)
    out = jnp.einsum('bnc,bnf->bcf', ss, h)
    return out

if __name__ == "__main__":
    import jax
    _d = setup_inputs()
    print(jax.jit(kernel)(*tuple(_d.values())))

</pallas_src>

<mosaic_0001>
#map = affine_map<(d0, d1) -> (0, 0)>
#map1 = affine_map<(d0, d1) -> (0, 0, 0)>
module attributes {stable_mosaic.version = 14 : i64} {
  func.func @build(%arg0: i32, %arg1: i32, %arg2: memref<2x544xi32, #tpu.memory_space<hbm>>, %arg3: memref<4x68x68xf32, #tpu.memory_space<hbm>>, %arg4: memref<2x544xi32, #tpu.memory_space<vmem>>, %arg5: memref<68x68xf32, #tpu.memory_space<vmem>>, %arg6: memref<!tpu.dma_semaphore, #tpu.memory_space<semaphore_mem>>) attributes {dimension_semantics = [#tpu.dimension_semantics<core_parallel>, #tpu.dimension_semantics<subcore_parallel>], iteration_bounds = array<i64: 1, 4>, scalar_prefetch = 0 : i64, scratch_operands = 3 : i64, tpu.core_type = #tpu.core_type<sc_vector_subcore>, window_params = [{transform_indices = #map}, {transform_indices = #map1}]} {
    %lt3A = arith.constant 4 : i32
    %lt3A_0 = arith.cmpi slt, %arg1, %lt3A : i32
    %convert_element_type3A = arith.extui %lt3A_0 : i1 to i32
    %cond3A = arith.constant 0 : i32
    %cond3A_1 = arith.cmpi ne, %convert_element_type3A, %cond3A : i32
    scf.if %cond3A_1 {
      %mul3A = arith.constant 34 : i32
      %mul3A_2 = arith.muli %arg1, %mul3A : i32
      %jit3A = arith.constant 4 : i32
      %div3A = arith.divsi %mul3A_2, %jit3A : i32
      %sign3A = arith.constant 0 : i32
      %sign3A_3 = arith.cmpi sgt, %mul3A_2, %sign3A : i32
      %sign3A_4 = arith.extui %sign3A_3 : i1 to i32
      %sign3A_5 = arith.constant 0 : i32
      %sign3A_6 = arith.cmpi slt, %mul3A_2, %sign3A_5 : i32
      %sign3A_7 = arith.extui %sign3A_6 : i1 to i32
      %sign3A_8 = arith.subi %sign3A_4, %sign3A_7 : i32
      %sign3A_9 = arith.constant 0 : i32
      %sign3A_10 = arith.cmpi sgt, %jit3A, %sign3A_9 : i32
      %sign3A_11 = arith.extui %sign3A_10 : i1 to i32
      %sign3A_12 = arith.constant 0 : i32
      %sign3A_13 = arith.cmpi slt, %jit3A, %sign3A_12 : i32
      %sign3A_14 = arith.extui %sign3A_13 : i1 to i32
      %sign3A_15 = arith.subi %sign3A_11, %sign3A_14 : i32
      %ne3A = arith.cmpi ne, %sign3A_8, %sign3A_15 : i32
      %rem3A = arith.remsi %mul3A_2, %jit3A : i32
      %ne3A_16 = arith.constant 0 : i32
      %ne3A_17 = arith.cmpi ne, %rem3A, %ne3A_16 : i32
      %and3A = arith.andi %ne3A, %ne3A_17 : i1
      %sub3A = arith.constant 1 : i32
      %sub3A_18 = arith.subi %div3A, %sub3A : i32
      %select_n3A = arith.select %and3A, %sub3A_18, %div3A : i32
      %add3A = arith.constant 1 : i32
      %add3A_19 = arith.addi %arg1, %add3A : i32
      %mul3A_20 = arith.constant 34 : i32
      %mul3A_21 = arith.muli %add3A_19, %mul3A_20 : i32
      %jit3A_22 = arith.constant 4 : i32
      %div3A_23 = arith.divsi %mul3A_21, %jit3A_22 : i32
      %sign3A_24 = arith.constant 0 : i32
      %sign3A_25 = arith.cmpi sgt, %mul3A_21, %sign3A_24 : i32
      %sign3A_26 = arith.extui %sign3A_25 : i1 to i32
      %sign3A_27 = arith.constant 0 : i32
      %sign3A_28 = arith.cmpi slt, %mul3A_21, %sign3A_27 : i32
      %sign3A_29 = arith.extui %sign3A_28 : i1 to i32
      %sign3A_30 = arith.subi %sign3A_26, %sign3A_29 : i32
      %sign3A_31 = arith.constant 0 : i32
      %sign3A_32 = arith.cmpi sgt, %jit3A_22, %sign3A_31 : i32
      %sign3A_33 = arith.extui %sign3A_32 : i1 to i32
      %sign3A_34 = arith.constant 0 : i32
      %sign3A_35 = arith.cmpi slt, %jit3A_22, %sign3A_34 : i32
      %sign3A_36 = arith.extui %sign3A_35 : i1 to i32
      %sign3A_37 = arith.subi %sign3A_33, %sign3A_36 : i32
      %ne3A_38 = arith.cmpi ne, %sign3A_30, %sign3A_37 : i32
      %rem3A_39 = arith.remsi %mul3A_21, %jit3A_22 : i32
      %ne3A_40 = arith.constant 0 : i32
      %ne3A_41 = arith.cmpi ne, %rem3A_39, %ne3A_40 : i32
      %and3A_42 = arith.andi %ne3A_38, %ne3A_41 : i1
      %sub3A_43 = arith.constant 1 : i32
      %sub3A_44 = arith.subi %div3A_23, %sub3A_43 : i32
      %select_n3A_45 = arith.select %and3A_42, %sub3A_44, %div3A_23 : i32
      tpu.enqueue_dma source(%arg2 : memref<2x544xi32, #tpu.memory_space<hbm>>) target(%arg4 : memref<2x544xi32, #tpu.memory_space<vmem>>) target_semaphore(%arg6 : memref<!tpu.dma_semaphore, #tpu.memory_space<semaphore_mem>>)
      %broadcast_in_dim3A = arith.constant 0.000000e+00 : f32
      %broadcast_in_dim3A_46 = vector.broadcast %broadcast_in_dim3A : f32 to vector<16xf32>
      %scan3A = arith.constant 0 : i32
      %scan3A_47 = arith.constant 0 : i32
      %scan3A_48 = arith.constant 17 : i32
      %scan3A_49 = arith.addi %scan3A_47, %scan3A_48 : i32
      %scan3A_50 = arith.constant 1 : i32
      scf.for %scan3A_64 = %scan3A_47 to %scan3A_49 step %scan3A_50  : i32 {
        %mul3A_65 = arith.constant 4 : i32
        %mul3A_66 = arith.muli %scan3A_64, %mul3A_65 : i32
        %add3A_67 = arith.constant 0 : i32
        %add3A_68 = arith.addi %mul3A_66, %add3A_67 : i32
        %swap3A = arith.index_cast %add3A_68 : i32 to index
        %swap3A_69 = arith.constant 0 : index
        %swap3A_70 = tpu.vector_load %arg5[%swap3A, %swap3A_69] {strides = array<i32>} : memref<68x68xf32, #tpu.memory_space<vmem>>, vector<16xf32>,
        tpu.vector_store %arg5[%swap3A, %swap3A_69], %broadcast_in_dim3A_46 {strides = array<i32>} : memref<68x68xf32, #tpu.memory_space<vmem>>, vector<16xf32>,
        %mul3A_71 = arith.constant 4 : i32
        %mul3A_72 = arith.muli %scan3A_64, %mul3A_71 : i32
        %add3A_73 = arith.constant 0 : i32
        %add3A_74 = arith.addi %mul3A_72, %add3A_73 : i32
        %swap3A_75 = arith.index_cast %add3A_74 : i32 to index
        %swap3A_76 = arith.constant 16 : index
        %swap3A_77 = tpu.vector_load %arg5[%swap3A_75, %swap3A_76] {strides = array<i32>} : memref<68x68xf32, #tpu.memory_space<vmem>>, vector<16xf32>,
        tpu.vector_store %arg5[%swap3A_75, %swap3A_76], %broadcast_in_dim3A_46 {strides = array<i32>} : memref<68x68xf32, #tpu.memory_space<vmem>>, vector<16xf32>,
        %mul3A_78 = arith.constant 4 : i32
        %mul3A_79 = arith.muli %scan3A_64, %mul3A_78 : i32
        %add3A_80 = arith.constant 0 : i32
        %add3A_81 = arith.addi %mul3A_79, %add3A_80 : i32
        %swap3A_82 = arith.index_cast %add3A_81 : i32 to index
        %swap3A_83 = arith.constant 32 : index
        %swap3A_84 = tpu.vector_load %arg5[%swap3A_82, %swap3A_83] {strides = array<i32>} : memref<68x68xf32, #tpu.memory_space<vmem>>, vector<16xf32>,
        tpu.vector_store %arg5[%swap3A_82, %swap3A_83], %broadcast_in_dim3A_46 {strides = array<i32>} : memref<68x68xf32, #tpu.memory_space<vmem>>, vector<16xf32>,
        %mul3A_85 = arith.constant 4 : i32
        %mul3A_86 = arith.muli %scan3A_64, %mul3A_85 : i32
        %add3A_87 = arith.constant 0 : i32
        %add3A_88 = arith.addi %mul3A_86, %add3A_87 : i32
        %swap3A_89 = arith.index_cast %add3A_88 : i32 to index
        %swap3A_90 = arith.constant 48 : index
        %swap3A_91 = tpu.vector_load %arg5[%swap3A_89, %swap3A_90] {strides = array<i32>} : memref<68x68xf32, #tpu.memory_space<vmem>>, vector<16xf32>,
        tpu.vector_store %arg5[%swap3A_89, %swap3A_90], %broadcast_in_dim3A_46 {strides = array<i32>} : memref<68x68xf32, #tpu.memory_space<vmem>>, vector<16xf32>,
        %mul3A_92 = arith.constant 4 : i32
        %mul3A_93 = arith.muli %scan3A_64, %mul3A_92 : i32
        %add3A_94 = arith.constant 0 : i32
        %add3A_95 = arith.addi %mul3A_93, %add3A_94 : i32
        %swap3A_96 = arith.index_cast %add3A_95 : i32 to index
        %swap3A_97 = arith.constant 52 : index
        %swap3A_98 = tpu.vector_load %arg5[%swap3A_96, %swap3A_97] {strides = array<i32>} : memref<68x68xf32, #tpu.memory_space<vmem>>, vector<16xf32>,
        tpu.vector_store %arg5[%swap3A_96, %swap3A_97], %broadcast_in_dim3A_46 {strides = array<i32>} : memref<68x68xf32, #tpu.memory_space<vmem>>, vector<16xf32>,
        %mul3A_99 = arith.constant 4 : i32
        %mul3A_100 = arith.muli %scan3A_64, %mul3A_99 : i32
        %add3A_101 = arith.constant 1 : i32
        %add3A_102 = arith.addi %mul3A_100, %add3A_101 : i32
        %swap3A_103 = arith.index_cast %add3A_102 : i32 to index
        %swap3A_104 = arith.constant 0 : index
        %swap3A_105 = tpu.vector_load %arg5[%swap3A_103, %swap3A_104] {strides = array<i32>} : memref<68x68xf32, #tpu.memory_space<vmem>>, vector<16xf32>,
        tpu.vector_store %arg5[%swap3A_103, %swap3A_104], %broadcast_in_dim3A_46 {strides = array<i32>} : memref<68x68xf32, #tpu.memory_space<vmem>>, vector<16xf32>,
        %mul3A_106 = arith.constant 4 : i32
        %mul3A_107 = arith.muli %scan3A_64, %mul3A_106 : i32
        %add3A_108 = arith.constant 1 : i32
        %add3A_109 = arith.addi %mul3A_107, %add3A_108 : i32
        %swap3A_110 = arith.index_cast %add3A_109 : i32 to index
        %swap3A_111 = arith.constant 16 : index
        %swap3A_112 = tpu.vector_load %arg5[%swap3A_110, %swap3A_111] {strides = array<i32>} : memref<68x68xf32, #tpu.memory_space<vmem>>, vector<16xf32>,
        tpu.vector_store %arg5[%swap3A_110, %swap3A_111], %broadcast_in_dim3A_46 {strides = array<i32>} : memref<68x68xf32, #tpu.memory_space<vmem>>, vector<16xf32>,
        %mul3A_113 = arith.constant 4 : i32
        %mul3A_114 = arith.muli %scan3A_64, %mul3A_113 : i32
        %add3A_115 = arith.constant 1 : i32
        %add3A_116 = arith.addi %mul3A_114, %add3A_115 : i32
        %swap3A_117 = arith.index_cast %add3A_116 : i32 to index
        %swap3A_118 = arith.constant 32 : index
        %swap3A_119 = tpu.vector_load %arg5[%swap3A_117, %swap3A_118] {strides = array<i32>} : memref<68x68xf32, #tpu.memory_space<vmem>>, vector<16xf32>,
        tpu.vector_store %arg5[%swap3A_117, %swap3A_118], %broadcast_in_dim3A_46 {strides = array<i32>} : memref<68x68xf32, #tpu.memory_space<vmem>>, vector<16xf32>,
        %mul3A_120 = arith.constant 4 : i32
        %mul3A_121 = arith.muli %scan3A_64, %mul3A_120 : i32
        %add3A_122 = arith.constant 1 : i32
        %add3A_123 = arith.addi %mul3A_121, %add3A_122 : i32
        %swap3A_124 = arith.index_cast %add3A_123 : i32 to index
        %swap3A_125 = arith.constant 48 : index
        %swap3A_126 = tpu.vector_load %arg5[%swap3A_124, %swap3A_125] {strides = array<i32>} : memref<68x68xf32, #tpu.memory_space<vmem>>, vector<16xf32>,
        tpu.vector_store %arg5[%swap3A_124, %swap3A_125], %broadcast_in_dim3A_46 {strides = array<i32>} : memref<68x68xf32, #tpu.memory_space<vmem>>, vector<16xf32>,
        %mul3A_127 = arith.constant 4 : i32
        %mul3A_128 = arith.muli %scan3A_64, %mul3A_127 : i32
        %add3A_129 = arith.constant 1 : i32
        %add3A_130 = arith.addi %mul3A_128, %add3A_129 : i32
        %swap3A_131 = arith.index_cast %add3A_130 : i32 to index
        %swap3A_132 = arith.constant 52 : index
        %swap3A_133 = tpu.vector_load %arg5[%swap3A_131, %swap3A_132] {strides = array<i32>} : memref<68x68xf32, #tpu.memory_space<vmem>>, vector<16xf32>,
        tpu.vector_store %arg5[%swap3A_131, %swap3A_132], %broadcast_in_dim3A_46 {strides = array<i32>} : memref<68x68xf32, #tpu.memory_space<vmem>>, vector<16xf32>,
        %mul3A_134 = arith.constant 4 : i32
        %mul3A_135 = arith.muli %scan3A_64, %mul3A_134 : i32
        %add3A_136 = arith.constant 2 : i32
        %add3A_137 = arith.addi %mul3A_135, %add3A_136 : i32
        %swap3A_138 = arith.index_cast %add3A_137 : i32 to index
        %swap3A_139 = arith.constant 0 : index
        %swap3A_140 = tpu.vector_load %arg5[%swap3A_138, %swap3A_139] {strides = array<i32>} : memref<68x68xf32, #tpu.memory_space<vmem>>, vector<16xf32>,
        tpu.vector_store %arg5[%swap3A_138, %swap3A_139], %broadcast_in_dim3A_46 {strides = array<i32>} : memref<68x68xf32, #tpu.memory_space<vmem>>, vector<16xf32>,
        %mul3A_141 = arith.constant 4 : i32
        %mul3A_142 = arith.muli %scan3A_64, %mul3A_141 : i32
        %add3A_143 = arith.constant 2 : i32
        %add3A_144 = arith.addi %mul3A_142, %add3A_143 : i32
        %swap3A_145 = arith.index_cast %add3A_144 : i32 to index
        %swap3A_146 = arith.constant 16 : index
        %swap3A_147 = tpu.vector_load %arg5[%swap3A_145, %swap3A_146] {strides = array<i32>} : memref<68x68xf32, #tpu.memory_space<vmem>>, vector<16xf32>,
        tpu.vector_store %arg5[%swap3A_145, %swap3A_146], %broadcast_in_dim3A_46 {strides = array<i32>} : memref<68x68xf32, #tpu.memory_space<vmem>>, vector<16xf32>,
        %mul3A_148 = arith.constant 4 : i32
        %mul3A_149 = arith.muli %scan3A_64, %mul3A_148 : i32
        %add3A_150 = arith.constant 2 : i32
        %add3A_151 = arith.addi %mul3A_149, %add3A_150 : i32
        %swap3A_152 = arith.index_cast %add3A_151 : i32 to index
        %swap3A_153 = arith.constant 32 : index
        %swap3A_154 = tpu.vector_load %arg5[%swap3A_152, %swap3A_153] {strides = array<i32>} : memref<68x68xf32, #tpu.memory_space<vmem>>, vector<16xf32>,
        tpu.vector_store %arg5[%swap3A_152, %swap3A_153], %broadcast_in_dim3A_46 {strides = array<i32>} : memref<68x68xf32, #tpu.memory_space<vmem>>, vector<16xf32>,
        %mul3A_155 = arith.constant 4 : i32
        %mul3A_156 = arith.muli %scan3A_64, %mul3A_155 : i32
        %add3A_157 = arith.constant 2 : i32
        %add3A_158 = arith.addi %mul3A_156, %add3A_157 : i32
        %swap3A_159 = arith.index_cast %add3A_158 : i32 to index
        %swap3A_160 = arith.constant 48 : index
        %swap3A_161 = tpu.vector_load %arg5[%swap3A_159, %swap3A_160] {strides = array<i32>} : memref<68x68xf32, #tpu.memory_space<vmem>>, vector<16xf32>,
        tpu.vector_store %arg5[%swap3A_159, %swap3A_160], %broadcast_in_dim3A_46 {strides = array<i32>} : memref<68x68xf32, #tpu.memory_space<vmem>>, vector<16xf32>,
        %mul3A_162 = arith.constant 4 : i32
        %mul3A_163 = arith.muli %scan3A_64, %mul3A_162 : i32
        %add3A_164 = arith.constant 2 : i32
        %add3A_165 = arith.addi %mul3A_163, %add3A_164 : i32
        %swap3A_166 = arith.index_cast %add3A_165 : i32 to index
        %swap3A_167 = arith.constant 52 : index
        %swap3A_168 = tpu.vector_load %arg5[%swap3A_166, %swap3A_167] {strides = array<i32>} : memref<68x68xf32, #tpu.memory_space<vmem>>, vector<16xf32>,
        tpu.vector_store %arg5[%swap3A_166, %swap3A_167], %broadcast_in_dim3A_46 {strides = array<i32>} : memref<68x68xf32, #tpu.memory_space<vmem>>, vector<16xf32>,
        %mul3A_169 = arith.constant 4 : i32
        %mul3A_170 = arith.muli %scan3A_64, %mul3A_169 : i32
        %add3A_171 = arith.constant 3 : i32
        %add3A_172 = arith.addi %mul3A_170, %add3A_171 : i32
        %swap3A_173 = arith.index_cast %add3A_172 : i32 to index
        %swap3A_174 = arith.constant 0 : index
        %swap3A_175 = tpu.vector_load %arg5[%swap3A_173, %swap3A_174] {strides = array<i32>} : memref<68x68xf32, #tpu.memory_space<vmem>>, vector<16xf32>,
        tpu.vector_store %arg5[%swap3A_173, %swap3A_174], %broadcast_in_dim3A_46 {strides = array<i32>} : memref<68x68xf32, #tpu.memory_space<vmem>>, vector<16xf32>,
        %mul3A_176 = arith.constant 4 : i32
        %mul3A_177 = arith.muli %scan3A_64, %mul3A_176 : i32
        %add3A_178 = arith.constant 3 : i32
        %add3A_179 = arith.addi %mul3A_177, %add3A_178 : i32
        %swap3A_180 = arith.index_cast %add3A_179 : i32 to index
        %swap3A_181 = arith.constant 16 : index
        %swap3A_182 = tpu.vector_load %arg5[%swap3A_180, %swap3A_181] {strides = array<i32>} : memref<68x68xf32, #tpu.memory_space<vmem>>, vector<16xf32>,
        tpu.vector_store %arg5[%swap3A_180, %swap3A_181], %broadcast_in_dim3A_46 {strides = array<i32>} : memref<68x68xf32, #tpu.memory_space<vmem>>, vector<16xf32>,
        %mul3A_183 = arith.constant 4 : i32
        %mul3A_184 = arith.muli %scan3A_64, %mul3A_183 : i32
        %add3A_185 = arith.constant 3 : i32
        %add3A_186 = arith.addi %mul3A_184, %add3A_185 : i32
        %swap3A_187 = arith.index_cast %add3A_186 : i32 to index
        %swap3A_188 = arith.constant 32 : index
        %swap3A_189 = tpu.vector_load %arg5[%swap3A_187, %swap3A_188] {strides = array<i32>} : memref<68x68xf32, #tpu.memory_space<vmem>>, vector<16xf32>,
        tpu.vector_store %arg5[%swap3A_187, %swap3A_188], %broadcast_in_dim3A_46 {strides = array<i32>} : memref<68x68xf32, #tpu.memory_space<vmem>>, vector<16xf32>,
        %mul3A_190 = arith.constant 4 : i32
        %mul3A_191 = arith.muli %scan3A_64, %mul3A_190 : i32
        %add3A_192 = arith.constant 3 : i32
        %add3A_193 = arith.addi %mul3A_191, %add3A_192 : i32
        %swap3A_194 = arith.index_cast %add3A_193 : i32 to index
        %swap3A_195 = arith.constant 48 : index
        %swap3A_196 = tpu.vector_load %arg5[%swap3A_194, %swap3A_195] {strides = array<i32>} : memref<68x68xf32, #tpu.memory_space<vmem>>, vector<16xf32>,
        tpu.vector_store %arg5[%swap3A_194, %swap3A_195], %broadcast_in_dim3A_46 {strides = array<i32>} : memref<68x68xf32, #tpu.memory_space<vmem>>, vector<16xf32>,
        %mul3A_197 = arith.constant 4 : i32
        %mul3A_198 = arith.muli %scan3A_64, %mul3A_197 : i32
        %add3A_199 = arith.constant 3 : i32
        %add3A_200 = arith.addi %mul3A_198, %add3A_199 : i32
        %swap3A_201 = arith.index_cast %add3A_200 : i32 to index
        %swap3A_202 = arith.constant 52 : index
        %swap3A_203 = tpu.vector_load %arg5[%swap3A_201, %swap3A_202] {strides = array<i32>} : memref<68x68xf32, #tpu.memory_space<vmem>>, vector<16xf32>,
        tpu.vector_store %arg5[%swap3A_201, %swap3A_202], %broadcast_in_dim3A_46 {strides = array<i32>} : memref<68x68xf32, #tpu.memory_space<vmem>>, vector<16xf32>,
      }
      %scan3A_51 = arith.constant 17 : i32
      tpu.wait_dma2 semaphore(%arg6 : memref<!tpu.dma_semaphore, #tpu.memory_space<semaphore_mem>>) src(%arg2 : memref<2x544xi32, #tpu.memory_space<hbm>>) dst(%arg4 : memref<2x544xi32, #tpu.memory_space<vmem>>)
      %broadcast_in_dim3A_52 = arith.constant 1.000000e+00 : f32
      %broadcast_in_dim3A_53 = vector.broadcast %broadcast_in_dim3A_52 : f32 to vector<16xf32>
      %iota3A = tpu.iota {dimensions = array<i32: 0>} : vector<16xi32>
      %sub3A_54 = arith.subi %select_n3A_45, %select_n3A : i32
      %while3A = arith.constant 0 : i32
      %while3A_55 = arith.constant 0 : i32
      %while3A_56 = arith.subi %sub3A_54, %while3A_55 : i32
      %while3A_57 = arith.addi %while3A_55, %while3A_56 : i32
      %while3A_58 = arith.constant 1 : i32
      %while3A_59 = arith.divsi %while3A_56, %while3A_58 : i32
      %while3A_60 = arith.muli %while3A_59, %while3A_58 : i32
      %while3A_61 = arith.addi %while3A_55, %while3A_60 : i32
      %while3A_62 = arith.constant 1 : i32
      scf.for %while3A_64 = %while3A_55 to %while3A_61 step %while3A_62  : i32 {
        %add3A_65 = arith.addi %select_n3A, %while3A_64 : i32
        %mul3A_66 = arith.constant 16 : i32
        %mul3A_67 = arith.muli %add3A_65, %mul3A_66 : i32
        %get3A = arith.constant 0 : i32
        %get3A_68 = arith.index_cast %get3A : i32 to index
        %get3A_69 = arith.index_cast %mul3A_67 : i32 to index
        %get3A_70 = tpu.vector_load %arg4[%get3A_68, %get3A_69] {strides = array<i32>} : memref<2x544xi32, #tpu.memory_space<vmem>>, vector<16xi32>,
        %add3A_71 = arith.addi %select_n3A, %while3A_64 : i32
        %mul3A_72 = arith.constant 16 : i32
        %mul3A_73 = arith.muli %add3A_71, %mul3A_72 : i32
        %get3A_74 = arith.constant 1 : i32
        %get3A_75 = arith.index_cast %get3A_74 : i32 to index
        %get3A_76 = arith.index_cast %mul3A_73 : i32 to index
        %get3A_77 = tpu.vector_load %arg4[%get3A_75, %get3A_76] {strides = array<i32>} : memref<2x544xi32, #tpu.memory_space<vmem>>, vector<16xi32>,
        %eq3A = arith.constant 0 : i32
        %eq3A_78 = vector.broadcast %eq3A : i32 to vector<16xi32>
        %eq3A_79 = arith.cmpi eq, %iota3A, %eq3A_78 : vector<16xi32>
        tpu.vector_store_idx %arg5[%get3A_77, %get3A_70], %broadcast_in_dim3A_53 masked %eq3A_79 {add = true} : memref<68x68xf32, #tpu.memory_space<vmem>>[vector<16xi32>, vector<16xi32>], vector<16xf32>, vector<16xi1>
        %eq3A_80 = arith.constant 1 : i32
        %eq3A_81 = vector.broadcast %eq3A_80 : i32 to vector<16xi32>
        %eq3A_82 = arith.cmpi eq, %iota3A, %eq3A_81 : vector<16xi32>
        tpu.vector_store_idx %arg5[%get3A_77, %get3A_70], %broadcast_in_dim3A_53 masked %eq3A_82 {add = true} : memref<68x68xf32, #tpu.memory_space<vmem>>[vector<16xi32>, vector<16xi32>], vector<16xf32>, vector<16xi1>
        %eq3A_83 = arith.constant 2 : i32
        %eq3A_84 = vector.broadcast %eq3A_83 : i32 to vector<16xi32>
        %eq3A_85 = arith.cmpi eq, %iota3A, %eq3A_84 : vector<16xi32>
        tpu.vector_store_idx %arg5[%get3A_77, %get3A_70], %broadcast_in_dim3A_53 masked %eq3A_85 {add = true} : memref<68x68xf32, #tpu.memory_space<vmem>>[vector<16xi32>, vector<16xi32>], vector<16xf32>, vector<16xi1>
        %eq3A_86 = arith.constant 3 : i32
        %eq3A_87 = vector.broadcast %eq3A_86 : i32 to vector<16xi32>
        %eq3A_88 = arith.cmpi eq, %iota3A, %eq3A_87 : vector<16xi32>
        tpu.vector_store_idx %arg5[%get3A_77, %get3A_70], %broadcast_in_dim3A_53 masked %eq3A_88 {add = true} : memref<68x68xf32, #tpu.memory_space<vmem>>[vector<16xi32>, vector<16xi32>], vector<16xf32>, vector<16xi1>
        %eq3A_89 = arith.constant 4 : i32
        %eq3A_90 = vector.broadcast %eq3A_89 : i32 to vector<16xi32>
        %eq3A_91 = arith.cmpi eq, %iota3A, %eq3A_90 : vector<16xi32>
        tpu.vector_store_idx %arg5[%get3A_77, %get3A_70], %broadcast_in_dim3A_53 masked %eq3A_91 {add = true} : memref<68x68xf32, #tpu.memory_space<vmem>>[vector<16xi32>, vector<16xi32>], vector<16xf32>, vector<16xi1>
        %eq3A_92 = arith.constant 5 : i32
        %eq3A_93 = vector.broadcast %eq3A_92 : i32 to vector<16xi32>
        %eq3A_94 = arith.cmpi eq, %iota3A, %eq3A_93 : vector<16xi32>
        tpu.vector_store_idx %arg5[%get3A_77, %get3A_70], %broadcast_in_dim3A_53 masked %eq3A_94 {add = true} : memref<68x68xf32, #tpu.memory_space<vmem>>[vector<16xi32>, vector<16xi32>], vector<16xf32>, vector<16xi1>
        %eq3A_95 = arith.constant 6 : i32
        %eq3A_96 = vector.broadcast %eq3A_95 : i32 to vector<16xi32>
        %eq3A_97 = arith.cmpi eq, %iota3A, %eq3A_96 : vector<16xi32>
        tpu.vector_store_idx %arg5[%get3A_77, %get3A_70], %broadcast_in_dim3A_53 masked %eq3A_97 {add = true} : memref<68x68xf32, #tpu.memory_space<vmem>>[vector<16xi32>, vector<16xi32>], vector<16xf32>, vector<16xi1>
        %eq3A_98 = arith.constant 7 : i32
        %eq3A_99 = vector.broadcast %eq3A_98 : i32 to vector<16xi32>
        %eq3A_100 = arith.cmpi eq, %iota3A, %eq3A_99 : vector<16xi32>
        tpu.vector_store_idx %arg5[%get3A_77, %get3A_70], %broadcast_in_dim3A_53 masked %eq3A_100 {add = true} : memref<68x68xf32, #tpu.memory_space<vmem>>[vector<16xi32>, vector<16xi32>], vector<16xf32>, vector<16xi1>
        %eq3A_101 = arith.constant 8 : i32
        %eq3A_102 = vector.broadcast %eq3A_101 : i32 to vector<16xi32>
        %eq3A_103 = arith.cmpi eq, %iota3A, %eq3A_102 : vector<16xi32>
        tpu.vector_store_idx %arg5[%get3A_77, %get3A_70], %broadcast_in_dim3A_53 masked %eq3A_103 {add = true} : memref<68x68xf32, #tpu.memory_space<vmem>>[vector<16xi32>, vector<16xi32>], vector<16xf32>, vector<16xi1>
        %eq3A_104 = arith.constant 9 : i32
        %eq3A_105 = vector.broadcast %eq3A_104 : i32 to vector<16xi32>
        %eq3A_106 = arith.cmpi eq, %iota3A, %eq3A_105 : vector<16xi32>
        tpu.vector_store_idx %arg5[%get3A_77, %get3A_70], %broadcast_in_dim3A_53 masked %eq3A_106 {add = true} : memref<68x68xf32, #tpu.memory_space<vmem>>[vector<16xi32>, vector<16xi32>], vector<16xf32>, vector<16xi1>
        %eq3A_107 = arith.constant 10 : i32
        %eq3A_108 = vector.broadcast %eq3A_107 : i32 to vector<16xi32>
        %eq3A_109 = arith.cmpi eq, %iota3A, %eq3A_108 : vector<16xi32>
        tpu.vector_store_idx %arg5[%get3A_77, %get3A_70], %broadcast_in_dim3A_53 masked %eq3A_109 {add = true} : memref<68x68xf32, #tpu.memory_space<vmem>>[vector<16xi32>, vector<16xi32>], vector<16xf32>, vector<16xi1>
        %eq3A_110 = arith.constant 11 : i32
        %eq3A_111 = vector.broadcast %eq3A_110 : i32 to vector<16xi32>
        %eq3A_112 = arith.cmpi eq, %iota3A, %eq3A_111 : vector<16xi32>
        tpu.vector_store_idx %arg5[%get3A_77, %get3A_70], %broadcast_in_dim3A_53 masked %eq3A_112 {add = true} : memref<68x68xf32, #tpu.memory_space<vmem>>[vector<16xi32>, vector<16xi32>], vector<16xf32>, vector<16xi1>
        %eq3A_113 = arith.constant 12 : i32
        %eq3A_114 = vector.broadcast %eq3A_113 : i32 to vector<16xi32>
        %eq3A_115 = arith.cmpi eq, %iota3A, %eq3A_114 : vector<16xi32>
        tpu.vector_store_idx %arg5[%get3A_77, %get3A_70], %broadcast_in_dim3A_53 masked %eq3A_115 {add = true} : memref<68x68xf32, #tpu.memory_space<vmem>>[vector<16xi32>, vector<16xi32>], vector<16xf32>, vector<16xi1>
        %eq3A_116 = arith.constant 13 : i32
        %eq3A_117 = vector.broadcast %eq3A_116 : i32 to vector<16xi32>
        %eq3A_118 = arith.cmpi eq, %iota3A, %eq3A_117 : vector<16xi32>
        tpu.vector_store_idx %arg5[%get3A_77, %get3A_70], %broadcast_in_dim3A_53 masked %eq3A_118 {add = true} : memref<68x68xf32, #tpu.memory_space<vmem>>[vector<16xi32>, vector<16xi32>], vector<16xf32>, vector<16xi1>
        %eq3A_119 = arith.constant 14 : i32
        %eq3A_120 = vector.broadcast %eq3A_119 : i32 to vector<16xi32>
        %eq3A_121 = arith.cmpi eq, %iota3A, %eq3A_120 : vector<16xi32>
        tpu.vector_store_idx %arg5[%get3A_77, %get3A_70], %broadcast_in_dim3A_53 masked %eq3A_121 {add = true} : memref<68x68xf32, #tpu.memory_space<vmem>>[vector<16xi32>, vector<16xi32>], vector<16xf32>, vector<16xi1>
        %eq3A_122 = arith.constant 15 : i32
        %eq3A_123 = vector.broadcast %eq3A_122 : i32 to vector<16xi32>
        %eq3A_124 = arith.cmpi eq, %iota3A, %eq3A_123 : vector<16xi32>
        tpu.vector_store_idx %arg5[%get3A_77, %get3A_70], %broadcast_in_dim3A_53 masked %eq3A_124 {add = true} : memref<68x68xf32, #tpu.memory_space<vmem>>[vector<16xi32>, vector<16xi32>], vector<16xf32>, vector<16xi1>
      }
      %while3A_63 = arith.constant 1 : i32
      scf.for %while3A_64 = %while3A_61 to %while3A_57 step %while3A_63  : i32 {
        %add3A_65 = arith.addi %select_n3A, %while3A_64 : i32
        %mul3A_66 = arith.constant 16 : i32
        %mul3A_67 = arith.muli %add3A_65, %mul3A_66 : i32
        %get3A = arith.constant 0 : i32
        %get3A_68 = arith.index_cast %get3A : i32 to index
        %get3A_69 = arith.index_cast %mul3A_67 : i32 to index
        %get3A_70 = tpu.vector_load %arg4[%get3A_68, %get3A_69] {strides = array<i32>} : memref<2x544xi32, #tpu.memory_space<vmem>>, vector<16xi32>,
        %add3A_71 = arith.addi %select_n3A, %while3A_64 : i32
        %mul3A_72 = arith.constant 16 : i32
        %mul3A_73 = arith.muli %add3A_71, %mul3A_72 : i32
        %get3A_74 = arith.constant 1 : i32
        %get3A_75 = arith.index_cast %get3A_74 : i32 to index
        %get3A_76 = arith.index_cast %mul3A_73 : i32 to index
        %get3A_77 = tpu.vector_load %arg4[%get3A_75, %get3A_76] {strides = array<i32>} : memref<2x544xi32, #tpu.memory_space<vmem>>, vector<16xi32>,
        %eq3A = arith.constant 0 : i32
        %eq3A_78 = vector.broadcast %eq3A : i32 to vector<16xi32>
        %eq3A_79 = arith.cmpi eq, %iota3A, %eq3A_78 : vector<16xi32>
        tpu.vector_store_idx %arg5[%get3A_77, %get3A_70], %broadcast_in_dim3A_53 masked %eq3A_79 {add = true} : memref<68x68xf32, #tpu.memory_space<vmem>>[vector<16xi32>, vector<16xi32>], vector<16xf32>, vector<16xi1>
        %eq3A_80 = arith.constant 1 : i32
        %eq3A_81 = vector.broadcast %eq3A_80 : i32 to vector<16xi32>
        %eq3A_82 = arith.cmpi eq, %iota3A, %eq3A_81 : vector<16xi32>
        tpu.vector_store_idx %arg5[%get3A_77, %get3A_70], %broadcast_in_dim3A_53 masked %eq3A_82 {add = true} : memref<68x68xf32, #tpu.memory_space<vmem>>[vector<16xi32>, vector<16xi32>], vector<16xf32>, vector<16xi1>
        %eq3A_83 = arith.constant 2 : i32
        %eq3A_84 = vector.broadcast %eq3A_83 : i32 to vector<16xi32>
        %eq3A_85 = arith.cmpi eq, %iota3A, %eq3A_84 : vector<16xi32>
        tpu.vector_store_idx %arg5[%get3A_77, %get3A_70], %broadcast_in_dim3A_53 masked %eq3A_85 {add = true} : memref<68x68xf32, #tpu.memory_space<vmem>>[vector<16xi32>, vector<16xi32>], vector<16xf32>, vector<16xi1>
        %eq3A_86 = arith.constant 3 : i32
        %eq3A_87 = vector.broadcast %eq3A_86 : i32 to vector<16xi32>
        %eq3A_88 = arith.cmpi eq, %iota3A, %eq3A_87 : vector<16xi32>
        tpu.vector_store_idx %arg5[%get3A_77, %get3A_70], %broadcast_in_dim3A_53 masked %eq3A_88 {add = true} : memref<68x68xf32, #tpu.memory_space<vmem>>[vector<16xi32>, vector<16xi32>], vector<16xf32>, vector<16xi1>
        %eq3A_89 = arith.constant 4 : i32
        %eq3A_90 = vector.broadcast %eq3A_89 : i32 to vector<16xi32>
        %eq3A_91 = arith.cmpi eq, %iota3A, %eq3A_90 : vector<16xi32>
        tpu.vector_store_idx %arg5[%get3A_77, %get3A_70], %broadcast_in_dim3A_53 masked %eq3A_91 {add = true} : memref<68x68xf32, #tpu.memory_space<vmem>>[vector<16xi32>, vector<16xi32>], vector<16xf32>, vector<16xi1>
        %eq3A_92 = arith.constant 5 : i32
        %eq3A_93 = vector.broadcast %eq3A_92 : i32 to vector<16xi32>
        %eq3A_94 = arith.cmpi eq, %iota3A, %eq3A_93 : vector<16xi32>
        tpu.vector_store_idx %arg5[%get3A_77, %get3A_70], %broadcast_in_dim3A_53 masked %eq3A_94 {add = true} : memref<68x68xf32, #tpu.memory_space<vmem>>[vector<16xi32>, vector<16xi32>], vector<16xf32>, vector<16xi1>
        %eq3A_95 = arith.constant 6 : i32
        %eq3A_96 = vector.broadcast %eq3A_95 : i32 to vector<16xi32>
        %eq3A_97 = arith.cmpi eq, %iota3A, %eq3A_96 : vector<16xi32>
        tpu.vector_store_idx %arg5[%get3A_77, %get3A_70], %broadcast_in_dim3A_53 masked %eq3A_97 {add = true} : memref<68x68xf32, #tpu.memory_space<vmem>>[vector<16xi32>, vector<16xi32>], vector<16xf32>, vector<16xi1>
        %eq3A_98 = arith.constant 7 : i32
        %eq3A_99 = vector.broadcast %eq3A_98 : i32 to vector<16xi32>
        %eq3A_100 = arith.cmpi eq, %iota3A, %eq3A_99 : vector<16xi32>
        tpu.vector_store_idx %arg5[%get3A_77, %get3A_70], %broadcast_in_dim3A_53 masked %eq3A_100 {add = true} : memref<68x68xf32, #tpu.memory_space<vmem>>[vector<16xi32>, vector<16xi32>], vector<16xf32>, vector<16xi1>
        %eq3A_101 = arith.constant 8 : i32
        %eq3A_102 = vector.broadcast %eq3A_101 : i32 to vector<16xi32>
        %eq3A_103 = arith.cmpi eq, %iota3A, %eq3A_102 : vector<16xi32>
        tpu.vector_store_idx %arg5[%get3A_77, %get3A_70], %broadcast_in_dim3A_53 masked %eq3A_103 {add = true} : memref<68x68xf32, #tpu.memory_space<vmem>>[vector<16xi32>, vector<16xi32>], vector<16xf32>, vector<16xi1>
        %eq3A_104 = arith.constant 9 : i32
        %eq3A_105 = vector.broadcast %eq3A_104 : i32 to vector<16xi32>
        %eq3A_106 = arith.cmpi eq, %iota3A, %eq3A_105 : vector<16xi32>
        tpu.vector_store_idx %arg5[%get3A_77, %get3A_70], %broadcast_in_dim3A_53 masked %eq3A_106 {add = true} : memref<68x68xf32, #tpu.memory_space<vmem>>[vector<16xi32>, vector<16xi32>], vector<16xf32>, vector<16xi1>
        %eq3A_107 = arith.constant 10 : i32
        %eq3A_108 = vector.broadcast %eq3A_107 : i32 to vector<16xi32>
        %eq3A_109 = arith.cmpi eq, %iota3A, %eq3A_108 : vector<16xi32>
        tpu.vector_store_idx %arg5[%get3A_77, %get3A_70], %broadcast_in_dim3A_53 masked %eq3A_109 {add = true} : memref<68x68xf32, #tpu.memory_space<vmem>>[vector<16xi32>, vector<16xi32>], vector<16xf32>, vector<16xi1>
        %eq3A_110 = arith.constant 11 : i32
        %eq3A_111 = vector.broadcast %eq3A_110 : i32 to vector<16xi32>
        %eq3A_112 = arith.cmpi eq, %iota3A, %eq3A_111 : vector<16xi32>
        tpu.vector_store_idx %arg5[%get3A_77, %get3A_70], %broadcast_in_dim3A_53 masked %eq3A_112 {add = true} : memref<68x68xf32, #tpu.memory_space<vmem>>[vector<16xi32>, vector<16xi32>], vector<16xf32>, vector<16xi1>
        %eq3A_113 = arith.constant 12 : i32
        %eq3A_114 = vector.broadcast %eq3A_113 : i32 to vector<16xi32>
        %eq3A_115 = arith.cmpi eq, %iota3A, %eq3A_114 : vector<16xi32>
        tpu.vector_store_idx %arg5[%get3A_77, %get3A_70], %broadcast_in_dim3A_53 masked %eq3A_115 {add = true} : memref<68x68xf32, #tpu.memory_space<vmem>>[vector<16xi32>, vector<16xi32>], vector<16xf32>, vector<16xi1>
        %eq3A_116 = arith.constant 13 : i32
        %eq3A_117 = vector.broadcast %eq3A_116 : i32 to vector<16xi32>
        %eq3A_118 = arith.cmpi eq, %iota3A, %eq3A_117 : vector<16xi32>
        tpu.vector_store_idx %arg5[%get3A_77, %get3A_70], %broadcast_in_dim3A_53 masked %eq3A_118 {add = true} : memref<68x68xf32, #tpu.memory_space<vmem>>[vector<16xi32>, vector<16xi32>], vector<16xf32>, vector<16xi1>
        %eq3A_119 = arith.constant 14 : i32
        %eq3A_120 = vector.broadcast %eq3A_119 : i32 to vector<16xi32>
        %eq3A_121 = arith.cmpi eq, %iota3A, %eq3A_120 : vector<16xi32>
        tpu.vector_store_idx %arg5[%get3A_77, %get3A_70], %broadcast_in_dim3A_53 masked %eq3A_121 {add = true} : memref<68x68xf32, #tpu.memory_space<vmem>>[vector<16xi32>, vector<16xi32>], vector<16xf32>, vector<16xi1>
        %eq3A_122 = arith.constant 15 : i32
        %eq3A_123 = vector.broadcast %eq3A_122 : i32 to vector<16xi32>
        %eq3A_124 = arith.cmpi eq, %iota3A, %eq3A_123 : vector<16xi32>
        tpu.vector_store_idx %arg5[%get3A_77, %get3A_70], %broadcast_in_dim3A_53 masked %eq3A_124 {add = true} : memref<68x68xf32, #tpu.memory_space<vmem>>[vector<16xi32>, vector<16xi32>], vector<16xf32>, vector<16xi1>
      }
      "tpu.region"() ({
        %run_scoped3A = tpu.sem_alloc : memref<!tpu.dma_semaphore, #tpu.memory_space<semaphore_mem>>
        %dma_start3A = arith.constant 0 : i32
        %dma_start3A_64 = arith.constant 0 : i32
        %dma_start3A_65 = tpu.memref_slice %arg3[%arg1, %dma_start3A, %dma_start3A_64] : memref<4x68x68xf32, #tpu.memory_space<hbm>> -> memref<1x68x68xf32, #tpu.memory_space<hbm>>
        %dma_start3A_66 = tpu.memref_squeeze %dma_start3A_65 : memref<1x68x68xf32, #tpu.memory_space<hbm>> -> memref<68x68xf32, #tpu.memory_space<hbm>>
        %dma_start3A_67 = arith.constant 0 : i32
        %dma_start3A_68 = arith.constant 0 : i32
        %dma_start3A_69 = tpu.memref_slice %arg3[%arg1, %dma_start3A_67, %dma_start3A_68] : memref<4x68x68xf32, #tpu.memory_space<hbm>> -> memref<1x68x68xf32, #tpu.memory_space<hbm>>
        %dma_start3A_70 = tpu.memref_squeeze %dma_start3A_69 : memref<1x68x68xf32, #tpu.memory_space<hbm>> -> memref<68x68xf32, #tpu.memory_space<hbm>>
        tpu.enqueue_dma source(%arg5 : memref<68x68xf32, #tpu.memory_space<vmem>>) target(%dma_start3A_70 : memref<68x68xf32, #tpu.memory_space<hbm>>) target_semaphore(%run_scoped3A : memref<!tpu.dma_semaphore, #tpu.memory_space<semaphore_mem>>)
        %dma_wait3A = arith.constant 0 : i32
        %dma_wait3A_71 = arith.constant 0 : i32
        %dma_wait3A_72 = tpu.memref_slice %arg3[%arg1, %dma_wait3A, %dma_wait3A_71] : memref<4x68x68xf32, #tpu.memory_space<hbm>> -> memref<1x68x68xf32, #tpu.memory_space<hbm>>
        %dma_wait3A_73 = tpu.memref_squeeze %dma_wait3A_72 : memref<1x68x68xf32, #tpu.memory_space<hbm>> -> memref<68x68xf32, #tpu.memory_space<hbm>>
        %dma_wait3A_74 = arith.constant 0 : i32
        %dma_wait3A_75 = arith.constant 0 : i32
        %dma_wait3A_76 = tpu.memref_slice %arg3[%arg1, %dma_wait3A_74, %dma_wait3A_75] : memref<4x68x68xf32, #tpu.memory_space<hbm>> -> memref<1x68x68xf32, #tpu.memory_space<hbm>>
        %dma_wait3A_77 = tpu.memref_squeeze %dma_wait3A_76 : memref<1x68x68xf32, #tpu.memory_space<hbm>> -> memref<68x68xf32, #tpu.memory_space<hbm>>
        tpu.wait_dma2 semaphore(%run_scoped3A : memref<!tpu.dma_semaphore, #tpu.memory_space<semaphore_mem>>) src(%arg5 : memref<68x68xf32, #tpu.memory_space<vmem>>) dst(%dma_wait3A_77 : memref<68x68xf32, #tpu.memory_space<hbm>>)
        tpu.yield
      }) : () -> ()
    } else {
    }
    return
  }
}

module attributes {stable_mosaic.version = 14 : i64} {
  func.func @_tc_body(%arg0: memref<4x68x68xf32, #tpu.memory_space<vmem>>, %arg1: memref<68x2xf32, #tpu.memory_space<vmem>>, %arg2: memref<1x68x8xf32, #tpu.memory_space<vmem>>, %arg3: memref<4x128x128xf32, #tpu.memory_space<vmem>>, %arg4: memref<7x128xf32, #tpu.memory_space<vmem>>, %arg5: memref<8x128xf32, #tpu.memory_space<vmem>>) attributes {dimension_semantics = [], scalar_prefetch = 0 : i64, scratch_operands = 0 : i64, tpu.core_type = #tpu.core_type<tc>} {
    %get3A = arith.constant 0 : index
    %get3A_0 = arith.constant 0 : index
    %get3A_1 = arith.constant 0 : index
    %get3A_2 = vector.load %arg0[%get3A, %get3A_0, %get3A_1] : memref<4x68x68xf32, #tpu.memory_space<vmem>>, vector<4x68x68xf32>
    %reduce_sum3A = arith.constant dense<0.000000e+00> : vector<68x68xf32>
    %reduce_sum3A_3 = vector.multi_reduction <add>, %get3A_2, %reduce_sum3A [0] : vector<4x68x68xf32> to vector<68x68xf32>
    %get3A_4 = arith.constant 0 : index
    %get3A_5 = arith.constant 0 : index
    %get3A_6 = vector.load %arg1[%get3A_4, %get3A_5] : memref<68x2xf32, #tpu.memory_space<vmem>>, vector<68x2xf32>
    %slice3A = vector.extract_strided_slice %get3A_6 {offsets = [0, 0], sizes = [68, 1], strides = [1, 1]} : vector<68x2xf32> to vector<68x1xf32>
    %slice3A_7 = vector.extract_strided_slice %get3A_6 {offsets = [0, 1], sizes = [68, 1], strides = [1, 1]} : vector<68x2xf32> to vector<68x1xf32>
    %get3A_8 = arith.constant 0 : index
    %get3A_9 = arith.constant 0 : index
    %get3A_10 = vector.load %arg4[%get3A_8, %get3A_9] : memref<7x128xf32, #tpu.memory_space<vmem>>, vector<1x128xf32>
    %get3A_11 = vector.shape_cast %get3A_10 : vector<1x128xf32> to vector<128xf32>
    %broadcast_in_dim3A = vector.shape_cast %get3A_11 : vector<128xf32> to vector<1x128xf32>
    %mul3A = vector.broadcast %slice3A : vector<68x1xf32> to vector<68x128xf32>
    %mul3A_12 = vector.broadcast %broadcast_in_dim3A : vector<1x128xf32> to vector<68x128xf32>
    %mul3A_13 = arith.mulf %mul3A, %mul3A_12 : vector<68x128xf32>
    %get3A_14 = arith.constant 1 : index
    %get3A_15 = arith.constant 0 : index
    %get3A_16 = vector.load %arg4[%get3A_14, %get3A_15] : memref<7x128xf32, #tpu.memory_space<vmem>>, vector<1x128xf32>
    %get3A_17 = vector.shape_cast %get3A_16 : vector<1x128xf32> to vector<128xf32>
    %broadcast_in_dim3A_18 = vector.shape_cast %get3A_17 : vector<128xf32> to vector<1x128xf32>
    %mul3A_19 = vector.broadcast %slice3A_7 : vector<68x1xf32> to vector<68x128xf32>
    %mul3A_20 = vector.broadcast %broadcast_in_dim3A_18 : vector<1x128xf32> to vector<68x128xf32>
    %mul3A_21 = arith.mulf %mul3A_19, %mul3A_20 : vector<68x128xf32>
    %add3A = arith.addf %mul3A_13, %mul3A_21 : vector<68x128xf32>
    %get3A_22 = arith.constant 2 : index
    %get3A_23 = arith.constant 0 : index
    %get3A_24 = vector.load %arg4[%get3A_22, %get3A_23] : memref<7x128xf32, #tpu.memory_space<vmem>>, vector<1x128xf32>
    %get3A_25 = vector.shape_cast %get3A_24 : vector<1x128xf32> to vector<128xf32>
    %broadcast_in_dim3A_26 = vector.shape_cast %get3A_25 : vector<128xf32> to vector<1x128xf32>
    %mul3A_27 = vector.broadcast %slice3A : vector<68x1xf32> to vector<68x128xf32>
    %mul3A_28 = vector.broadcast %broadcast_in_dim3A_26 : vector<1x128xf32> to vector<68x128xf32>
    %mul3A_29 = arith.mulf %mul3A_27, %mul3A_28 : vector<68x128xf32>
    %get3A_30 = arith.constant 3 : index
    %get3A_31 = arith.constant 0 : index
    %get3A_32 = vector.load %arg4[%get3A_30, %get3A_31] : memref<7x128xf32, #tpu.memory_space<vmem>>, vector<1x128xf32>
    %get3A_33 = vector.shape_cast %get3A_32 : vector<1x128xf32> to vector<128xf32>
    %broadcast_in_dim3A_34 = vector.shape_cast %get3A_33 : vector<128xf32> to vector<1x128xf32>
    %mul3A_35 = vector.broadcast %slice3A_7 : vector<68x1xf32> to vector<68x128xf32>
    %mul3A_36 = vector.broadcast %broadcast_in_dim3A_34 : vector<1x128xf32> to vector<68x128xf32>
    %mul3A_37 = arith.mulf %mul3A_35, %mul3A_36 : vector<68x128xf32>
    %add3A_38 = arith.addf %mul3A_29, %mul3A_37 : vector<68x128xf32>
    %dot_general3A = arith.constant dense<0.000000e+00> : vector<68x128xf32>
    %dot_general3A_39 = tpu.matmul %reduce_sum3A_3, %add3A, %dot_general3A {dimension_numbers = #tpu.dot_dimension_numbers<[1], [0], [0], [1], [0, 0, 1, 1], [], []>, transpose_lhs_hint = false} : vector<68x68xf32>, vector<68x128xf32>, vector<68x128xf32> -> vector<68x128xf32>
    %add3A_40 = arith.addf %dot_general3A_39, %add3A_38 : vector<68x128xf32>
    %get3A_41 = arith.constant 4 : index
    %get3A_42 = arith.constant 0 : index
    %get3A_43 = vector.load %arg4[%get3A_41, %get3A_42] : memref<7x128xf32, #tpu.memory_space<vmem>>, vector<1x128xf32>
    %get3A_44 = vector.shape_cast %get3A_43 : vector<1x128xf32> to vector<128xf32>
    %broadcast_in_dim3A_45 = vector.shape_cast %get3A_44 : vector<128xf32> to vector<1x128xf32>
    %add3A_46 = vector.broadcast %broadcast_in_dim3A_45 : vector<1x128xf32> to vector<68x128xf32>
    %add3A_47 = arith.addf %add3A_40, %add3A_46 : vector<68x128xf32>
    %max3A = arith.constant 0.000000e+00 : f32
    %max3A_48 = vector.broadcast %max3A : f32 to vector<68x128xf32>
    %max3A_49 = arith.maximumf %add3A_47, %max3A_48 : vector<68x128xf32>
    %get3A_50 = arith.constant 0 : index
    %get3A_51 = arith.constant 0 : index
    %get3A_52 = arith.constant 0 : index
    %get3A_53 = vector.load %arg3[%get3A_50, %get3A_51, %get3A_52] : memref<4x128x128xf32, #tpu.memory_space<vmem>>, vector<1x128x128xf32>
    %get3A_54 = vector.shape_cast %get3A_53 : vector<1x128x128xf32> to vector<128x128xf32>
    %get3A_55 = arith.constant 1 : index
    %get3A_56 = arith.constant 0 : index
    %get3A_57 = arith.constant 0 : index
    %get3A_58 = vector.load %arg3[%get3A_55, %get3A_56, %get3A_57] : memref<4x128x128xf32, #tpu.memory_space<vmem>>, vector<1x128x128xf32>
    %get3A_59 = vector.shape_cast %get3A_58 : vector<1x128x128xf32> to vector<128x128xf32>
    %get3A_60 = arith.constant 5 : index
    %get3A_61 = arith.constant 0 : index
    %get3A_62 = vector.load %arg4[%get3A_60, %get3A_61] : memref<7x128xf32, #tpu.memory_space<vmem>>, vector<1x128xf32>
    %get3A_63 = vector.shape_cast %get3A_62 : vector<1x128xf32> to vector<128xf32>
    %get3A_64 = arith.constant 2 : index
    %get3A_65 = arith.constant 0 : index
    %get3A_66 = arith.constant 0 : index
    %get3A_67 = vector.load %arg3[%get3A_64, %get3A_65, %get3A_66] : memref<4x128x128xf32, #tpu.memory_space<vmem>>, vector<1x128x128xf32>
    %get3A_68 = vector.shape_cast %get3A_67 : vector<1x128x128xf32> to vector<128x128xf32>
    %get3A_69 = arith.constant 3 : index
    %get3A_70 = arith.constant 0 : index
    %get3A_71 = arith.constant 0 : index
    %get3A_72 = vector.load %arg3[%get3A_69, %get3A_70, %get3A_71] : memref<4x128x128xf32, #tpu.memory_space<vmem>>, vector<1x128x128xf32>
    %get3A_73 = vector.shape_cast %get3A_72 : vector<1x128x128xf32> to vector<128x128xf32>
    %get3A_74 = arith.constant 6 : index
    %get3A_75 = arith.constant 0 : index
    %get3A_76 = vector.load %arg4[%get3A_74, %get3A_75] : memref<7x128xf32, #tpu.memory_space<vmem>>, vector<1x128xf32>
    %get3A_77 = vector.shape_cast %get3A_76 : vector<1x128xf32> to vector<128xf32>
    %dot_general3A_78 = arith.constant dense<0.000000e+00> : vector<68x128xf32>
    %dot_general3A_79 = tpu.matmul %max3A_49, %get3A_54, %dot_general3A_78 {dimension_numbers = #tpu.dot_dimension_numbers<[1], [1], [0], [0], [0, 0, 1, 0], [], []>, transpose_lhs_hint = false} : vector<68x128xf32>, vector<128x128xf32>, vector<68x128xf32> -> vector<68x128xf32>
    %dot_general3A_80 = arith.constant dense<0.000000e+00> : vector<68x128xf32>
    %dot_general3A_81 = tpu.matmul %max3A_49, %get3A_59, %dot_general3A_80 {dimension_numbers = #tpu.dot_dimension_numbers<[1], [1], [0], [0], [0, 0, 1, 0], [], []>, transpose_lhs_hint = false} : vector<68x128xf32>, vector<128x128xf32>, vector<68x128xf32> -> vector<68x128xf32>
    %dot_general3A_82 = arith.constant dense<0.000000e+00> : vector<68x128xf32>
    %dot_general3A_83 = tpu.matmul %reduce_sum3A_3, %dot_general3A_79, %dot_general3A_82 {dimension_numbers = #tpu.dot_dimension_numbers<[1], [0], [0], [1], [0, 0, 1, 1], [], []>, transpose_lhs_hint = false} : vector<68x68xf32>, vector<68x128xf32>, vector<68x128xf32> -> vector<68x128xf32>
    %add3A_84 = arith.addf %dot_general3A_83, %dot_general3A_81 : vector<68x128xf32>
    %broadcast_in_dim3A_85 = vector.shape_cast %get3A_63 : vector<128xf32> to vector<1x128xf32>
    %add3A_86 = vector.broadcast %broadcast_in_dim3A_85 : vector<1x128xf32> to vector<68x128xf32>
    %add3A_87 = arith.addf %add3A_84, %add3A_86 : vector<68x128xf32>
    %max3A_88 = arith.constant 0.000000e+00 : f32
    %max3A_89 = vector.broadcast %max3A_88 : f32 to vector<68x128xf32>
    %max3A_90 = arith.maximumf %add3A_87, %max3A_89 : vector<68x128xf32>
    %dot_general3A_91 = arith.constant dense<0.000000e+00> : vector<68x128xf32>
    %dot_general3A_92 = tpu.matmul %max3A_90, %get3A_68, %dot_general3A_91 {dimension_numbers = #tpu.dot_dimension_numbers<[1], [1], [0], [0], [0, 0, 1, 0], [], []>, transpose_lhs_hint = false} : vector<68x128xf32>, vector<128x128xf32>, vector<68x128xf32> -> vector<68x128xf32>
    %dot_general3A_93 = arith.constant dense<0.000000e+00> : vector<68x128xf32>
    %dot_general3A_94 = tpu.matmul %max3A_90, %get3A_73, %dot_general3A_93 {dimension_numbers = #tpu.dot_dimension_numbers<[1], [1], [0], [0], [0, 0, 1, 0], [], []>, transpose_lhs_hint = false} : vector<68x128xf32>, vector<128x128xf32>, vector<68x128xf32> -> vector<68x128xf32>
    %dot_general3A_95 = arith.constant dense<0.000000e+00> : vector<68x128xf32>
    %dot_general3A_96 = tpu.matmul %reduce_sum3A_3, %dot_general3A_92, %dot_general3A_95 {dimension_numbers = #tpu.dot_dimension_numbers<[1], [0], [0], [1], [0, 0, 1, 1], [], []>, transpose_lhs_hint = false} : vector<68x68xf32>, vector<68x128xf32>, vector<68x128xf32> -> vector<68x128xf32>
    %add3A_97 = arith.addf %dot_general3A_96, %dot_general3A_94 : vector<68x128xf32>
    %broadcast_in_dim3A_98 = vector.shape_cast %get3A_77 : vector<128xf32> to vector<1x128xf32>
    %add3A_99 = vector.broadcast %broadcast_in_dim3A_98 : vector<1x128xf32> to vector<68x128xf32>
    %add3A_100 = arith.addf %add3A_97, %add3A_99 : vector<68x128xf32>
    %max3A_101 = arith.constant 0.000000e+00 : f32
    %max3A_102 = vector.broadcast %max3A_101 : f32 to vector<68x128xf32>
    %max3A_103 = arith.maximumf %add3A_100, %max3A_102 : vector<68x128xf32>
    %get3A_104 = arith.constant 0 : index
    %get3A_105 = arith.constant 0 : index
    %get3A_106 = arith.constant 0 : index
    %get3A_107 = vector.load %arg2[%get3A_104, %get3A_105, %get3A_106] : memref<1x68x8xf32, #tpu.memory_space<vmem>>, vector<1x68x8xf32>
    %get3A_108 = vector.shape_cast %get3A_107 : vector<1x68x8xf32> to vector<68x8xf32>
    %reduce_max3A = arith.constant dense<0xFF800000> : vector<68xf32>
    %reduce_max3A_109 = vector.multi_reduction <maximumf>, %get3A_108, %reduce_max3A [1] : vector<68x8xf32> to vector<68xf32>
    %broadcast_in_dim3A_110 = vector.shape_cast %reduce_max3A_109 : vector<68xf32> to vector<68x1xf32>
    %sub3A = vector.broadcast %broadcast_in_dim3A_110 : vector<68x1xf32> to vector<68x8xf32>
    %sub3A_111 = arith.subf %get3A_108, %sub3A : vector<68x8xf32>
    %exp3A = math.exp %sub3A_111 : vector<68x8xf32>
    %reduce_sum3A_112 = arith.constant dense<0.000000e+00> : vector<68xf32>
    %reduce_sum3A_113 = vector.multi_reduction <add>, %exp3A, %reduce_sum3A_112 [1] : vector<68x8xf32> to vector<68xf32>
    %broadcast_in_dim3A_114 = vector.shape_cast %reduce_sum3A_113 : vector<68xf32> to vector<68x1xf32>
    %div3A = vector.broadcast %broadcast_in_dim3A_114 : vector<68x1xf32> to vector<68x8xf32>
    %div3A_115 = arith.divf %exp3A, %div3A : vector<68x8xf32>
    %dot_general3A_116 = arith.constant dense<0.000000e+00> : vector<8x128xf32>
    %dot_general3A_117 = tpu.matmul %div3A_115, %max3A_103, %dot_general3A_116 {dimension_numbers = #tpu.dot_dimension_numbers<[0], [0], [1], [1], [0, 1, 1, 1], [], []>, transpose_lhs_hint = false} : vector<68x8xf32>, vector<68x128xf32>, vector<8x128xf32> -> vector<8x128xf32>
    %swap3A = arith.constant 0 : index
    %swap3A_118 = arith.constant 0 : index
    %swap3A_119 = vector.load %arg5[%swap3A, %swap3A_118] : memref<8x128xf32, #tpu.memory_space<vmem>>, vector<8x128xf32>
    tpu.vector_store %arg5[%swap3A, %swap3A_118], %dot_general3A_117 {strides = array<i32>} : memref<8x128xf32, #tpu.memory_space<vmem>>, vector<8x128xf32>,
    return
  }
}

</mosaic_0001>

<sc_bundles>
// kernel: kernel.4.cloned.1.call-start
scs
__scs_entry_jumppad:
0x0: {  	(pc) =	sbr.rel $0x88, $3  }
0x1: {  	(tag) =	ssettag $0x0;
	lr =	simm.s32 $0x1  }
0x2: {  	[smem:$0x3F92] =	sst lr;
	_ =	strace $0xD0000000  }
0x3: {  	_ = 	snop  }
0x4: {  	_ = 	snop  }
0x5: {  	_ = 	snop  }
0x6: {  	_ = 	snop  }
0x7: {  	_ = 	snop  }
__scs_overlays_trampoline_lowered:
0x8: {  	[smem:$0x3FA1] =	sst s0  }
0x9: {  	[smem:$0x3FA2] =	sst s1  }
0xa: {  	[smem:$0x3FA3] =	sst s2  }
0xb: {  	[smem:$0x3FA4] =	sst s3  }
0xc: {  	[smem:$0x3FA5] =	sst s4  }
0xd: {  	[smem:$0x3FA6] =	sst s5  }
0xe: {  	[smem:$0x3FA7] =	sst s6  }
0xf: {  	[smem:$0x3FA8] =	sst s7  }
0x10: {  	[smem:$0x3FA9] =	sst s8  }
0x11: {  	[smem:$0x3FAA] =	sst s9;
	s0 =	simm.s32 @!p0 $0x0  }
0x12: {  	s1 =	sld [smem:$0x3F90];
	s0 =	simm.s32 @p0 $0x1  }
0x13: {  	[smem:$0x3FAB] =	sst s0;
	s0 =	simm.s32 @!p1 $0x0  }
0x14: {  	s2 =	sld [smem:$0x3F8F];
	s0 =	simm.s32 @p1 $0x1  }
0x15: {  	[smem:$0x3FAC] =	sst s0;
	s0 =	simm.s32 @!p2 $0x0  }
0x16: {  	s3 =	sld [smem:$0x3FDB];
	s0 =	simm.s32 @p2 $0x1  }
0x17: {  	s4 =	simm.s32 $0x1BF5;
	[smem:$0x3FAE] =	sst s0  }
0x18: {  	s0 =	sld [smem:$0x3F91];
	_ =	swait.ge [sflag:s4], $0x0  }
0x19: {  	s7 =	sld [smem:$0x3F92]  }
0x1a: {  	s8 =	sadd.s32 $0xFFFFE003, lr  }
0x1b: {  	s9 =	sadd.s32 $0xFFFFFEF7, lr;
	s5 =	simm.s32 $0xFFFFFFFF;
	p2 =	slt.u32 s8, $0xFFFFF086  }
0x1c: {  	p1 =	slt.u32 s9, $0xF7A;
	s5 =	simm.s32 @!p2 $0x0  }
0x1d: {  	s5 =	simm.s32 @p1 $0x1;
	p0 =	seq.s32 s7, s2  }
0x1e: {  	s7 =	smul.u32 @!p0 $0xF7A, s2;
	p2 =	seq.s32 @!p0 s5, $0x0  }
0x1f: {  	s9 =	smul.u32 $0xF7A, s1;
	s8 =	simm.s32 @!p0 $0x1BF5;
	p2 =	por !p2, p0  }
0x20: {  	[sflag:s8] =	ssyncset.s32 @!p0 $0xFFFFF086;
	s6 =	sadd.s32 @!p0 s3, s7;
	s7 =	simm.s32 @!p0 $0x108  }
0x21: {  	s3 =	sadd.s32 s3, s9;
	s6 =	sadd.s32 @!p0 $0x88, s6;
	s7 =	simm.s32 @p2 $0x1082  }
0x22: {  	[simem:s7], [sflag:s8] =	dma.local @!p0 [hbm:s6], $0xF7A  }
0x23: {  	s9 =	sor.u32 $0xD0000000, s2;
	s6 =	simm.s32 $0x108;
	_ =	swait.ge @!p0 [sflag:s8], $0x0  }
0x24: {  	s3 =	sadd.s32 $0x88, s3;
	s6 =	simm.s32 @!p1 $0x1082;
	[sflag:s4] =	ssyncset.s32 $0xFFFFF086  }
0x25: {  	[simem:s6], [sflag:s4] =	dma.local [hbm:s3], $0xF7A  }
0x26: {  	[smem:$0x3F92] =	sst s1;
	(tag) =	ssettag s2;
	_ =	strace s9  }
0x27: {  	s1 =	sld [smem:$0x3FA2]  }
0x28: {  	s2 =	sld [smem:$0x3FA3]  }
0x29: {  	s4 =	sld [smem:$0x3FA5]  }
0x2a: {  	p0 =	seq.s32 s5, $0x0;
	s5 =	sld [smem:$0x3FA6]  }
0x2b: {  	s6 =	sld [smem:$0x3FA7]  }
0x2c: {  	s7 =	sld [smem:$0x3FA8]  }
0x2d: {  	s3 =	simm.s32 $0x108;
	s8 =	sld [smem:$0x3FA9]  }
0x2e: {  	s3 =	simm.s32 @!p0 $0x1082;
	s9 =	sld [smem:$0x3FAA]  }
0x2f: {  	lr =	sadd.s32 s0, s3;
	s0 =	sld [smem:$0x3FA1]  }
0x30: {  	s3 =	sld [smem:$0x3FA4]  }
0x31: {  	[smem:$0x3FAD] =	sst s10  }
0x32: {  	s10 =	sld [smem:$0x3FAB];
	_ =	sdelay $0x3  }
0x33: {  	p0 =	seq.s32 s10, $0x1;
	s10 =	sld [smem:$0x3FAD];
	_ =	sdelay $0x3  }
0x34: {  	[smem:$0x3FAD] =	sst s10  }
0x35: {  	s10 =	sld [smem:$0x3FAC];
	_ =	sdelay $0x3  }
0x36: {  	p1 =	seq.s32 s10, $0x1;
	s10 =	sld [smem:$0x3FAD];
	_ =	sdelay $0x3  }
0x37: {  	[smem:$0x3FAD] =	sst s10  }
0x38: {  	s10 =	sld [smem:$0x3FAE]  }
0x39: {  	_ = 	snop;
	(pc) =	sbr.ind lr, $3  }
0x3a: {  	_ = 	snop  }
0x3b: {  	_ = 	snop  }
0x3c: {  	p2 =	seq.s32 s10, $0x1;
	s10 =	sld [smem:$0x3FAD]  }
0x3d: {  	_ =	shalt  }
0x3e: {  	_ =	shalt  }
0x3f: {  	_ =	shalt  }
0x40: {  	_ =	shalt  }
0x41: {  	_ =	shalt  }
0x42: {  	_ =	shalt  }
0x43: {  	_ =	shalt  }
0x44: {  	_ =	shalt  }
0x45: {  	_ =	shalt  }
0x46: {  	_ =	shalt  }
0x47: {  	_ =	shalt  }
0x48: {  	_ =	shalt  }
0x49: {  	_ =	shalt  }
0x4a: {  	_ =	shalt  }
0x4b: {  	_ =	shalt  }
0x4c: {  	_ =	shalt  }
0x4d: {  	_ =	shalt  }
0x4e: {  	_ =	shalt  }
0x4f: {  	_ =	shalt  }
0x50: {  	_ =	shalt  }
0x51: {  	_ =	shalt  }
0x52: {  	_ =	shalt  }
0x53: {  	_ =	shalt  }
0x54: {  	_ =	shalt  }
0x55: {  	_ =	shalt  }
0x56: {  	_ =	shalt  }
0x57: {  	_ =	shalt  }
0x58: {  	_ =	shalt  }
0x59: {  	_ =	shalt  }
0x5a: {  	_ =	shalt  }
0x5b: {  	_ =	shalt  }
0x5c: {  	_ =	shalt  }
0x5d: {  	_ =	shalt  }
0x5e: {  	_ =	shalt  }
0x5f: {  	_ =	shalt  }
0x60: {  	_ =	shalt  }
0x61: {  	_ =	shalt  }
0x62: {  	_ =	shalt  }
0x63: {  	_ =	shalt  }
0x64: {  	_ =	shalt  }
0x65: {  	_ =	shalt  }
0x66: {  	_ =	shalt  }
0x67: {  	_ =	shalt  }
0x68: {  	_ =	shalt  }
0x69: {  	_ =	shalt  }
0x6a: {  	_ =	shalt  }
0x6b: {  	_ =	shalt  }
0x6c: {  	_ =	shalt  }
0x6d: {  	_ =	shalt  }
0x6e: {  	_ =	shalt  }
0x6f: {  	_ =	shalt  }
0x70: {  	_ =	shalt  }
0x71: {  	_ =	shalt  }
0x72: {  	_ =	shalt  }
0x73: {  	_ =	shalt  }
0x74: {  	_ =	shalt  }
0x75: {  	_ =	shalt  }
0x76: {  	_ =	shalt  }
0x77: {  	_ =	shalt  }
0x78: {  	_ =	shalt  }
0x79: {  	_ =	shalt  }
0x7a: {  	_ =	shalt  }
0x7b: {  	_ =	shalt  }
0x7c: {  	_ =	shalt  }
0x7d: {  	_ =	shalt  }
0x7e: {  	_ =	shalt  }
0x7f: {  	_ =	shalt  }
0x80: {  	_ =	shalt  }
0x81: {  	_ =	shalt  }
0x82: {  	_ =	shalt  }
0x83: {  	_ =	shalt  }
0x84: {  	_ =	shalt  }
0x85: {  	_ =	shalt  }
0x86: {  	_ =	shalt  }
0x87: {  	_ =	shalt  }
.Lfunc_end0:
.L_simem_size_0:
called_computation_lowered:
.L_overlay_start_0:
0x88: {  	s0 =	sld [smem:$0x3FD9]  }
0x89: {  	s1 =	sld [smem:$0x3FFE];
	_ =	sdelay $0x3  }
0x8a: {  	s0 =	sadd.s32 s1, s0  }
0x8b: {  	[smem:$0x3FB9] =	sst s0  }
0x8c: {  	_ = 	snop  }
0x8d: {  	s0 =	sld [smem:$0x3FC8];
	(tm) =	ssettm $0x1  }
0x8e: {  	s16 =	sld [smem:$0x3FFB];
	_ =	sdelay $0x3  }
0x8f: {  	_ =	strace s16  }
0x90: {  	s1 =	sld [smem:$0x3FFC];
	_ =	sdelay $0x3  }
0x91: {  	_ =	strace s1  }
0x92: {  	s1 =	sld [smem:$0x3FFD];
	_ =	sdelay $0x3  }
0x93: {  	_ =	strace s1  }
0x94: {  	_ =	strace $0x8FFFFFFF  }
0x95: {  	s17 =	sld [smem:$0x3FDB];
	_ =	sdelay $0x1  }
0x96: {  	s2 =	simm.s32 $_scs_section_size  }
0x97: {  	s3 =	simm.s32 $_size__tile_overlayer_lowered;
	s4 =	simm.s32 $_tile_overlayer_lowered  }
0x98: {  	s20 =	simm.s32 $0x1BFF;
	s19 =	sshll.u32 s4, $0x1;
	s1 =	sadd.s32 s2, s17  }
0x99: {  	s5 =	simm.s32 $0x0;
	s18 =	sshll.u32 s3, $0x1;
	s3 =	sadd.s32 s19, s1  }
0x9a: {  	[timem:s5], [sflag:s20] =	dma.local [hbm:s3], s18  }
0x9b: {  	_ =	swait.ge [sflag:s20], s18  }
0x9c: {  	s2 =	ssub.s32 $0x0, s18;
	[sflag:s20] =	ssyncset.done $0x0  }
0x9d: {  	[sflag:s20] =	ssyncadd.s32 s2;
	_ =	sdelay $0x1  }
0x9e: {  	s21 =	simm.s32 $0x1B8B  }
0x9f: {  	_ =	swait.ge [sflag:s21], $0x1  }
0xa0: {  	[sflag:s21] =	ssyncset.done $0x0  }
0xa1: {  	s23 =	simm.s32 $0x1B8E;
	s22 =	sld [smem:$0x3FFE];
	[sflag:s21] =	ssyncadd.s32 $0xFFFFFFFF  }
0xa2: {  	s24 =	simm.s32 $execute0_lowered;
	[smem:$0x3FD2] =	sst s23  }
0xa3: {  	s3 =	sshll.u32 s24, $0x1;
	_ =	strace $0x80000046;
	[dreg:$0x1] =	wrdreg $0xFFFFFFFF  }
0xa4: {  	s25 =	simm.s32 $_size_execute0_lowered;
	s1 =	sadd.s32 s1, s3;
	[dreg:$0x0] =	wrdreg $0x0  }
0xa5: {  	s3 =	sshll.u32 s25, $0x1;
	[dreg:$0x2] =	wrdreg s1  }
0xa6: {  	[dreg:$0x3] =	wrdreg s3  }
0xa7: {  	[dreg:$0x4] =	wrdreg $0xC0  }
0xa8: {  	_ =	task [dreg:s5], $0x5FFFF  }
0xa9: {  	[dreg:$0x1] =	wrdreg $0xFFFFFFFF  }
0xaa: {  	[dreg:$0x0] =	wrdreg $0x60  }
0xab: {  	[dreg:$0x2] =	wrdreg s0  }
0xac: {  	[dreg:$0x3] =	wrdreg s22  }
0xad: {  	[dreg:$0x4] =	wrdreg $0x9  }
0xae: {  	_ =	task.clear_ibuf [dreg:s5], $0x5FFFF;
	_ =	strace $0x90000046  }
0xaf: {  	s26 =	simm.s32 $0x9;
	_ =	strace $0x80000048  }
0xb0: {  	_ =	swait.ge [sflag:s26], $0x1  }
0xb1: {  	[sflag:s26] =	ssyncadd.s32 $0xFFFFFFFF  }
0xb2: {  	_ =	strace $0x90000048  }
0xb3: {  	_ =	sfence  }
0xb4: {  	s28 =	sld [smem:$0x0];
	_ =	sdelay $0x1  }
0xb5: {  	s29 =	srdreg.scid  }
0xb6: {  	s30 =	sshll.u32 s29, $0xD;
	s31 =	sshrl.u32 s29, $0x2  }
0xb7: {  	s2 =	sand.u32 $0x4000, s30;
	s1 =	sand.u32 $0x1, s29;
	s0 =	sadd.s32 s31, s28  }
0xb8: {  	s1 =	sor.u32 s2, s1;
	s0 =	sshll.u32 s0, $0x11  }
0xb9: {  	s0 =	sor.u32 s0, s1  }
0xba: {  	s0 =	sadd.s32 $0x8F2B, s0  }
0xbb: {  	[sflag:s0] =	ssyncadd.remote.s32 $0x1  }
0xbc: {  	_ =	sfence.sel $0xFFFF  }
0xbd: {  	[dreg:$0x0] =	wrdreg $0xFFFFFFFF;
	(pc) =	sbr.abs _section_cstart, $3  }
0xbe: {  	[dreg:$0x1] =	wrdreg $0xFFFFFFFF  }
0xbf: {  	_ =	task.clear_ibuf [dreg:s5], $0x2FFFF;
	_ =	strace $0x9FFFFFFF  }
0xc0: {  	(tm) =	ssettm $0x7FFFFFFF  }
0xc1: {  	_ =	shalt  }
tec
execute0_lowered:
.L_overlay_start_1:
0x0: {  	(tag) =	ssettag $0x1  }
0x1: {  	s1 =	stileid.u32  }
0x2: {  	p0 =	sgt.u32 s1, $0x3  }
.Ltmp0:
0x3: {  	_ = 	snop;
	(pc) =	sbr.rel @p0 .LBB2_12-.Ltmp0, $4  }
0x4: {  	s3 =	rddreg [dreg:$0x0]  }
0x5: {  	s2 =	rddreg [dreg:$0x1];
	s4 =	simm.s32 $0x0  }
0x6: {  	[smem:$0x7FF] =	sst s4  }
0x7: {  	s0 =	rddreg [dreg:$0x2];
	_ =	strace $0x80000047  }
0x8: {  	[tilespmem:s4], [sflag:$0x1] =	stream.linear.gather [hbm4b:s3+s4], $0x500, $0x38;
	[tilespmem:$0x2900] =	vst v63  }
0x9: {  	v0 =	vimm.f32 $0.0e+00;
	s4 =	simm.s32 $0x0  }
0xa: {  	[tilespmem:s4+$0x530] =	vst v0  }
0xb: {  	[tilespmem:s4+$0x5B0] =	vst v0  }
0xc: {  	s31 =	smul.u32 $0x22, s1;
	[tilespmem:s4+$0x630] =	vst v0  }
0xd: {  	[tilespmem:s4+$0x6B0] =	vst v0  }
0xe: {  	s6 =	smul.u32 $0x480, s1;
	[tilespmem:s4+$0x534] =	vst v0;
	s5 =	sadd.s32 $0x22, s31  }
0xf: {  	s2 =	sadd.s32 $0x2400, s2;
	[tilespmem:s4+$0x5B4] =	vst v0;
	s3 =	sshrl.u32 s31, $0x2;
	s5 =	sshrl.u32 s5, $0x2  }
0x10: {  	[tilespmem:s4+$0x634] =	vst v0;
	s2 =	sadd.s32 s2, s6;
	s6 =	simm.s32 $0x800;
	s5 =	ssub.s32 s5, s3  }
.LBB2_2:
0x11: {  	p0 =	sne.s32 s6, $0x8000;
	[tilespmem:s4+$0x6B4] =	vst v0  }
0x12: {  	[tilespmem:s4+$0x500] =	vst v0  }
0x13: {  	[tilespmem:s4+$0x510] =	vst v0  }
0x14: {  	[tilespmem:s4+$0x520] =	vst v0  }
0x15: {  	[tilespmem:s4+$0x580] =	vst v0  }
0x16: {  	[tilespmem:s4+$0x590] =	vst v0  }
0x17: {  	[tilespmem:s4+$0x5A0] =	vst v0  }
0x18: {  	[tilespmem:s4+$0x600] =	vst v0  }
0x19: {  	[tilespmem:s4+$0x610] =	vst v0  }
0x1a: {  	[tilespmem:s4+$0x620] =	vst v0  }
0x1b: {  	[tilespmem:s4+$0x680] =	vst v0  }
0x1c: {  	[tilespmem:s4+$0x690] =	vst v0  }
0x1d: {  	[tilespmem:s4+$0x6A0] =	vst v0;
	s4 =	sshra.s32 s6, $0x2  }
0x1e: {  	[tilespmem:s4+$0x530] =	vst v0  }
0x1f: {  	[tilespmem:s4+$0x534] =	vst v0  }
.Ltmp1:
0x20: {  	[tilespmem:s4+$0x5B0] =	vst v0;
	(pc) =	sbr.rel @p0 .LBB2_2-.Ltmp1, $4  }
0x21: {  	[tilespmem:s4+$0x5B4] =	vst v0  }
0x22: {  	[tilespmem:s4+$0x630] =	vst v0  }
0x23: {  	[tilespmem:s4+$0x634] =	vst v0  }
0x24: {  	s6 =	sadd.s32 $0x800, s6;
	[tilespmem:s4+$0x6B0] =	vst v0  }
0x25: {  	[tilespmem:s4+$0x6B4] =	vst v0  }
0x26: {  	[tilespmem:s4+$0x500] =	vst v0  }
0x27: {  	[tilespmem:s4+$0x510] =	vst v0  }
0x28: {  	[tilespmem:s4+$0x520] =	vst v0  }
0x29: {  	[tilespmem:s4+$0x580] =	vst v0  }
0x2a: {  	[tilespmem:s4+$0x590] =	vst v0  }
0x2b: {  	[tilespmem:s4+$0x5A0] =	vst v0  }
0x2c: {  	[tilespmem:s4+$0x600] =	vst v0  }
0x2d: {  	[tilespmem:s4+$0x610] =	vst v0  }
0x2e: {  	[tilespmem:s4+$0x620] =	vst v0  }
0x2f: {  	[tilespmem:s4+$0x680] =	vst v0;
	p0 =	slt.s32 s5, $0x1  }
.Ltmp2:
0x30: {  	[tilespmem:s4+$0x690] =	vst v0;
	(pc) =	sbr.rel @p0 .LBB2_11-.Ltmp2, $4  }
0x31: {  	[tilespmem:s4+$0x6A0] =	vst v0;
	s31 =	simm.s32 $0x1  }
0x32: {  	_ =	swait.ge [sflag:s31], $0x500  }
0x33: {  	[sflag:s31] =	ssyncset.done $0x0  }
0x34: {  	[sflag:s31] =	ssyncadd.s32 $0xFFFFFB00  }
0x35: {  	p1 =	sne.s32 s5, $0x1;
	vm13 =	vcmask $0x3B38  }
.Ltmp3:
0x36: {  	v0 =	vimm.f32 $1.000000000e+00;
	vm0 =	vcmask $0x704;
	vm14 =	vcmask $0x3F3C;
	(pc) =	sbr.rel @!p1 .LBB2_5-.Ltmp3, $4  }
0x37: {  	vm1 =	vcmask $0xB08;
	vm2 =	vcmask $0xF0C;
	vm3 =	vcmask $0x1310  }
0x38: {  	vm4 =	vcmask $0x1714;
	vm5 =	vcmask $0x1B18;
	s4 =	sshll.u32 s3, $0x5;
	vm6 =	vcmask $0x1F1C  }
0x39: {  	s7 =	sshll.u32 s3, $0x4;
	vm7 =	vcmask $0x2320;
	vm8 =	vcmask $0x2724;
	s3 =	simm.s32 $0x500;
	vm9 =	vcmask $0x2B28;
	s6 =	sadd.s32 $0xFFFFFFFF, s5  }
0x3a: {  	vm10 =	vcmask $0x2F2C;
	vm11 =	vcmask $0x3330;
	vm12 =	vcmask $0x3734;
	p0 =	por $0x0, $0x0;
	s8 =	sand.u32 $0x70, s7;
	s7 =	sadd.s32 $0x10, s7  }
0x3b: {  	s5 =	sand.u32 $0xFFFFFF00, s4  }
0x3c: {  	s5 =	sor.u32 s8, s5  }
0x3d: {  	v1 =	vld [tilespmem:s5+$0x0]  }
0x3e: {  	v2 =	vld [tilespmem:s5+$0x80];
	_ =	sdelay $0x4  }
0x3f: {  	v3 =	vand.u32 $0xFFFFFF80, v1;
	v2 =	vshll.u32 v2, $0x7  }
0x40: {  	v1 =	vand.u32 $0x7F, v1;
	v2 =	vadd.s32 v3, v2  }
0x41: {  	v1 =	vor.u32 v1, v2;
	_ =	sdelay $0x4  }
0x42: {  	[tilespmem:v1+s3+$0x0] =	vst.idx.add.f32.msk $0x1, v0  }
0x43: {  	[tilespmem:v1+s3+$0x0] =	vst.idx.add.f32.msk vm0, v0  }
0x44: {  	[tilespmem:v1+s3+$0x0] =	vst.idx.add.f32.msk vm1, v0  }
0x45: {  	[tilespmem:v1+s3+$0x0] =	vst.idx.add.f32.msk vm2, v0  }
0x46: {  	[tilespmem:v1+s3+$0x0] =	vst.idx.add.f32.msk vm3, v0  }
0x47: {  	[tilespmem:v1+s3+$0x0] =	vst.idx.add.f32.msk vm4, v0  }
0x48: {  	[tilespmem:v1+s3+$0x0] =	vst.idx.add.f32.msk vm5, v0  }
0x49: {  	[tilespmem:v1+s3+$0x0] =	vst.idx.add.f32.msk vm6, v0  }
0x4a: {  	p1 =	sne.s32 s6, $0x1;
	[tilespmem:v1+s3+$0x0] =	vst.idx.add.f32.msk vm7, v0  }
.Ltmp4:
0x4b: {  	[tilespmem:v1+s3+$0x0] =	vst.idx.add.f32.msk vm8, v0;
	(pc) =	sbr.rel @!p1 .LBB2_7-.Ltmp4, $4  }
0x4c: {  	[tilespmem:v1+s3+$0x0] =	vst.idx.add.f32.msk vm9, v0  }
0x4d: {  	[tilespmem:v1+s3+$0x0] =	vst.idx.add.f32.msk vm10, v0  }
0x4e: {  	s6 =	sadd.s32 $0xFFFFFFFF, s6;
	s4 =	sadd.s32 $0x20, s4;
	[tilespmem:v1+s3+$0x0] =	vst.idx.add.f32.msk vm11, v0  }
0x4f: {  	p0 =	por $0x1, $0x1;
	s5 =	sand.u32 $0x70, s7;
	s7 =	sadd.s32 $0x10, s7;
	[tilespmem:v1+s3+$0x0] =	vst.idx.add.f32.msk vm12, v0  }
.LBB2_8:
0x50: {  	s8 =	sand.u32 $0x70, s7;
	p1 =	sne.s32 s6, $0x1;
	s9 =	sand.u32 $0xFFFFFF00, s4;
	[tilespmem:v1+s3+$0x0] =	vst.idx.add.f32.msk vm13, v0  }
0x51: {  	s6 =	sadd.s32 $0xFFFFFFFF, s6;
	s9 =	sor.u32 s5, s9;
	[tilespmem:v1+s3+$0x0] =	vst.idx.add.f32.msk vm14, v0;
	s5 =	smov.u32 s8  }
0x52: {  	v1 =	vld [tilespmem:s9+$0x0]  }
0x53: {  	v2 =	vld [tilespmem:s9+$0x80];
	_ =	sdelay $0x3  }
0x54: {  	v3 =	vand.u32 $0xFFFFFF80, v1  }
0x55: {  	v1 =	vand.u32 $0x7F, v1;
	v2 =	vshll.u32 v2, $0x7  }
0x56: {  	v2 =	vadd.s32 v3, v2  }
0x57: {  	v1 =	vor.u32 v1, v2;
	_ =	sdelay $0x4  }
0x58: {  	[tilespmem:v1+s3+$0x0] =	vst.idx.add.f32.msk $0x1, v0  }
0x59: {  	[tilespmem:v1+s3+$0x0] =	vst.idx.add.f32.msk vm0, v0  }
0x5a: {  	[tilespmem:v1+s3+$0x0] =	vst.idx.add.f32.msk vm1, v0  }
0x5b: {  	[tilespmem:v1+s3+$0x0] =	vst.idx.add.f32.msk vm2, v0  }
0x5c: {  	[tilespmem:v1+s3+$0x0] =	vst.idx.add.f32.msk vm3, v0  }
0x5d: {  	[tilespmem:v1+s3+$0x0] =	vst.idx.add.f32.msk vm4, v0  }
0x5e: {  	[tilespmem:v1+s3+$0x0] =	vst.idx.add.f32.msk vm5, v0  }
0x5f: {  	[tilespmem:v1+s3+$0x0] =	vst.idx.add.f32.msk vm6, v0  }
0x60: {  	[tilespmem:v1+s3+$0x0] =	vst.idx.add.f32.msk vm7, v0  }
.Ltmp5:
0x61: {  	[tilespmem:v1+s3+$0x0] =	vst.idx.add.f32.msk vm8, v0;
	(pc) =	sbr.rel @p1 .LBB2_8-.Ltmp5, $4  }
0x62: {  	[tilespmem:v1+s3+$0x0] =	vst.idx.add.f32.msk vm9, v0  }
0x63: {  	[tilespmem:v1+s3+$0x0] =	vst.idx.add.f32.msk vm10, v0  }
0x64: {  	[tilespmem:v1+s3+$0x0] =	vst.idx.add.f32.msk vm11, v0  }
0x65: {  	s7 =	sadd.s32 $0x10, s7;
	s4 =	sadd.s32 $0x20, s4;
	[tilespmem:v1+s3+$0x0] =	vst.idx.add.f32.msk vm12, v0  }
0x66: {  	s8 =	smov.u32 s5  }
.LBB2_10:
0x67: {  	_ =	sdelay $0x4  }
0x68: {  	s4 =	sand.u32 $0xFFFFFF00, s4;
	[tilespmem:v1+s3+$0x0] =	vst.idx.add.f32.msk @p0 vm13, v0  }
0x69: {  	s4 =	sor.u32 s8, s4;
	[tilespmem:v1+s3+$0x0] =	vst.idx.add.f32.msk @p0 vm14, v0  }
0x6a: {  	v1 =	vld [tilespmem:s4+$0x0]  }
0x6b: {  	v2 =	vld [tilespmem:s4+$0x80];
	_ =	sdelay $0x4  }
0x6c: {  	v3 =	vand.u32 $0xFFFFFF80, v1;
	v2 =	vshll.u32 v2, $0x7  }
0x6d: {  	v1 =	vand.u32 $0x7F, v1;
	v2 =	vadd.s32 v3, v2  }
0x6e: {  	v1 =	vor.u32 v1, v2;
	_ =	sdelay $0x4  }
0x6f: {  	[tilespmem:v1+s3+$0x0] =	vst.idx.add.f32.msk $0x1, v0  }
0x70: {  	[tilespmem:v1+s3+$0x0] =	vst.idx.add.f32.msk vm0, v0  }
0x71: {  	[tilespmem:v1+s3+$0x0] =	vst.idx.add.f32.msk vm1, v0  }
0x72: {  	[tilespmem:v1+s3+$0x0] =	vst.idx.add.f32.msk vm2, v0  }
0x73: {  	[tilespmem:v1+s3+$0x0] =	vst.idx.add.f32.msk vm3, v0  }
0x74: {  	[tilespmem:v1+s3+$0x0] =	vst.idx.add.f32.msk vm4, v0  }
0x75: {  	[tilespmem:v1+s3+$0x0] =	vst.idx.add.f32.msk vm5, v0  }
0x76: {  	[tilespmem:v1+s3+$0x0] =	vst.idx.add.f32.msk vm6, v0  }
0x77: {  	[tilespmem:v1+s3+$0x0] =	vst.idx.add.f32.msk vm7, v0  }
0x78: {  	[tilespmem:v1+s3+$0x0] =	vst.idx.add.f32.msk vm8, v0  }
0x79: {  	[tilespmem:v1+s3+$0x0] =	vst.idx.add.f32.msk vm9, v0  }
0x7a: {  	[tilespmem:v1+s3+$0x0] =	vst.idx.add.f32.msk vm10, v0  }
0x7b: {  	[tilespmem:v1+s3+$0x0] =	vst.idx.add.f32.msk vm11, v0  }
0x7c: {  	[tilespmem:v1+s3+$0x0] =	vst.idx.add.f32.msk vm12, v0  }
0x7d: {  	[tilespmem:v1+s3+$0x0] =	vst.idx.add.f32.msk vm13, v0  }
0x7e: {  	[tilespmem:v1+s3+$0x0] =	vst.idx.add.f32.msk vm14, v0  }
.LBB2_11:
0x7f: {  	s3 =	simm.s32 $0x0;
	s4 =	simm.s32 $0x500;
	s31 =	simm.s32 $0x2  }
0x80: {  	[hbm4b:s2+s3] =	stream.linear.scatter [tilespmem:s4], [sflag:$0x2], $0x2200, $0x38;
	[tilespmem:$0x2900] =	vst v63  }
0x81: {  	_ =	swait.ge [sflag:s31], $0x2200  }
0x82: {  	[sflag:s31] =	ssyncset.done $0x0  }
0x83: {  	[sflag:s31] =	ssyncadd.s32 $0xFFFFDE00  }
.LBB2_12:
0x84: {  	_ =	sfence.sel $0x180000  }
0x85: {  	[bflag:$0x0] =	sbarrier.arrive $0xFFFF  }
0x86: {  	p0 =	sne.s32 s1, $0x0;
	_ =	strace $0x90000047  }
0x87: {  	s0 =	sadd.s32 @!p0 $0x100000, s0;
	[bflag:$0x2] =	sbarrier.arrive $0xFFFF  }
0x88: {  	[sflag:s0] =	ssyncadd.tile.s32 @!p0 $0x1;
	_ =	shalt  }
.LBB2_5:
.Ltmp6:
0x89: {  	(pc) =	sbr.rel .LBB2_10-.Ltmp6, $2  }
0x8a: {  	_ =	sdelay $0x2  }
0x8b: {  	_ = 	snop  }
.LBB2_7:
.Ltmp7:
0x8c: {  	(pc) =	sbr.rel .LBB2_10-.Ltmp7, $2  }
0x8d: {  	_ =	sdelay $0x2  }
0x8e: {  	s8 =	smov.u32 s5  }
.Lfunc_end2:
_tile_overlayer_lowered:
.L_overlay_start_2:
0x8f: {  	(tag) =	ssettag $0x2  }
0x90: {  	s0 =	rddreg [dreg:$0x0];
	s2 =	stileid.u32  }
0x91: {  	s1 =	rddreg [dreg:$0x1];
	p0 =	sne.s32 s2, $0x0  }
0x92: {  	s3 =	rddreg [dreg:$0x2];
	[bflag:$0x3] =	sbarrier.arrive $0xFFFF;
	s2 =	simm.s32 @!p0 $0x1C02  }
0x93: {  	[timem:s3], [sflag:s2] =	dma.local @!p0 [hbm:s0], s1  }
0x94: {  	s0 =	simm.s32 @!p0 $0x2  }
0x95: {  	_ =	swait.ge @!p0 [sflag:s0], s1  }
0x96: {  	s1 =	ssub.s32 @!p0 $0x0, s1;
	[sflag:s0] =	ssyncset.done @!p0 $0x0  }
0x97: {  	[sflag:s0] =	ssyncadd.s32 @!p0 s1  }
0x98: {  	[bflag:$0x3] =	sbarrier.arrive $0xFFFF  }
0x99: {  	_ =	shalt  }

</sc_bundles>
